<compile_context>
chip_gen: v7x
topology: tpu7x:2x2x1
jax: 0.10.2.dev20260603
libtpu: 0.0.44.dev20260713+nightly
codegen_flags: <defaults>
</compile_context>

<pallas_src>
import functools

import jax
import jax.numpy as jnp
from jax import lax
from jax.experimental import pallas as pl
from jax.experimental.pallas import tpu as pltpu
from jax.experimental.pallas import tpu_sc as plsc

N = 10000
NPAD = 10240
D = 128
E = 320000
NC, NS = 2, 16
NW = NC * NS
EPT = E // NW
K = 80
NCHUNK = EPT // K
RPT = NPAD // NS

_F32 = jnp.float32


def _sc_mesh():
    return plsc.VectorSubcoreMesh(
        core_axis_name="c", subcore_axis_name="s", num_cores=NC, num_subcores=NS
    )



def _sc_deg_body(dstc_hbm, ones_hbm, zero_hbm, out_hbm, dst_v, ones_v, deg_sh,
                 sem):
    cid = lax.axis_index("c")
    sid = lax.axis_index("s")
    wid = sid * NC + cid
    pltpu.sync_copy(zero_hbm.at[pl.ds(sid * RPT, RPT)],
                    deg_sh.at[pl.ds(sid * RPT, RPT)])
    pltpu.sync_copy(dstc_hbm.at[wid], dst_v)
    pltpu.sync_copy(ones_hbm, ones_v)
    plsc.subcore_barrier()

    def chunk(j, carry):
        pltpu.async_copy(ones_v, deg_sh.at[dst_v.at[j]], sem, add=True)
        return carry

    lax.fori_loop(0, NCHUNK, chunk, 0, unroll=False)

    def drain(j, carry):
        pltpu.make_async_copy(ones_v, deg_sh.at[dst_v.at[j]], sem).wait()
        return carry

    lax.fori_loop(0, NCHUNK, drain, 0, unroll=False)
    plsc.subcore_barrier()
    pltpu.sync_copy(deg_sh.at[pl.ds(sid * RPT, RPT)],
                    out_hbm.at[cid, pl.ds(sid * RPT, RPT)])


def _sc_degree(dst3):
    ones = jnp.ones((K, D), _F32)
    zeros = jnp.zeros((NPAD, D), _F32)
    return pl.kernel(
        _sc_deg_body,
        out_type=jax.ShapeDtypeStruct((NC, NPAD, D), _F32),
        mesh=_sc_mesh(),
        scratch_types=[
            pltpu.VMEM((NCHUNK, K), jnp.int32),
            pltpu.VMEM((K, D), _F32),
            pltpu.VMEM_SHARED((NPAD, D), _F32),
            pltpu.SemaphoreType.DMA,
        ],
    )(dst3, ones, zeros)


def _sc_agg_body(y_hbm, srcc_hbm, dstc_hbm, zero_hbm, out_hbm,
                 src_v, dst_v, rows_v, z_sh, sem):
    cid = lax.axis_index("c")
    sid = lax.axis_index("s")
    wid = sid * NC + cid
    pltpu.sync_copy(zero_hbm.at[pl.ds(sid * RPT, RPT)],
                    z_sh.at[pl.ds(sid * RPT, RPT)])
    pltpu.sync_copy(srcc_hbm.at[wid], src_v)
    pltpu.sync_copy(dstc_hbm.at[wid], dst_v)
    plsc.subcore_barrier()

    def chunk(j, carry):
        pltpu.async_copy(y_hbm.at[src_v.at[j]], rows_v, sem).wait()
        pltpu.sync_copy(rows_v, z_sh.at[dst_v.at[j]], add=True)
        return carry

    lax.fori_loop(0, NCHUNK, chunk, 0, unroll=False)
    plsc.subcore_barrier()
    pltpu.sync_copy(z_sh.at[pl.ds(sid * RPT, RPT)],
                    out_hbm.at[cid, pl.ds(sid * RPT, RPT)])


def _sc_aggregate(y, src3, dst3):
    zeros = jnp.zeros((NPAD, D), _F32)
    return pl.kernel(
        _sc_agg_body,
        out_type=jax.ShapeDtypeStruct((NC, NPAD, D), _F32),
        mesh=_sc_mesh(),
        scratch_types=[
            pltpu.VMEM((NCHUNK, K), jnp.int32),
            pltpu.VMEM((NCHUNK, K), jnp.int32),
            pltpu.VMEM((K, D), _F32),
            pltpu.VMEM_SHARED((NPAD, D), _F32),
            pltpu.SemaphoreType.DMA,
        ],
    )(y, src3, dst3, zeros)



_R = 2000
_G = N // _R

def _row_spec(w):
    return pl.BlockSpec((_R, w), lambda i: (i, 0))

def _z_spec(w):
    return pl.BlockSpec((NC, _R, w), lambda i: (0, i, 0))

def _rep_spec(shape):
    return pl.BlockSpec(shape, lambda i: tuple(0 for _ in shape))


def _tc_mm_body(x_ref, w_ref, xw_ref):
    xw_ref[...] = jnp.dot(x_ref[...], w_ref[...], preferred_element_type=_F32)


def _tc_mm(x, w):
    return pl.pallas_call(
        _tc_mm_body,
        grid=(_G,),
        in_specs=[_row_spec(D), _rep_spec((D, D))],
        out_specs=[_row_spec(D)],
        out_shape=[jax.ShapeDtypeStruct((N, D), _F32)],
    )(x, w)[0]


def _tc_pre_body(degp_ref, xw_ref, dis_ref, y_ref):
    deg = degp_ref[0, :, :1] + degp_ref[1, :, :1] + 1.0
    dis = lax.rsqrt(deg)
    dis_ref[...] = dis
    y_ref[...] = xw_ref[...] * dis


def _tc_pre(degp, xw):
    return pl.pallas_call(
        _tc_pre_body,
        grid=(_G,),
        in_specs=[_z_spec(D), _row_spec(D)],
        out_specs=[_row_spec(1), _row_spec(D)],
        out_shape=[
            jax.ShapeDtypeStruct((N, 1), _F32),
            jax.ShapeDtypeStruct((N, D), _F32),
        ],
    )(degp, xw)


def _tc_mid_body(dis_ref, xw_ref, z_ref, b_ref, hprev_ref, w_ref,
                 h_ref, xwn_ref, yn_ref, *, residual):
    dis = dis_ref[...]
    z = z_ref[0] + z_ref[1]
    out = dis * z + (dis * dis) * xw_ref[...] + b_ref[...]
    h = jnp.maximum(out, 0.0)
    if residual:
        h = h + hprev_ref[...]
    xwn = jnp.dot(h, w_ref[...], preferred_element_type=_F32)
    h_ref[...] = h
    xwn_ref[...] = xwn
    yn_ref[...] = xwn * dis


def _tc_mid(dis, xw, z, b, hprev, w, residual):
    return pl.pallas_call(
        functools.partial(_tc_mid_body, residual=residual),
        grid=(_G,),
        in_specs=[_row_spec(1), _row_spec(D), _z_spec(D),
                  _rep_spec((1, D)), _row_spec(D), _rep_spec((D, D))],
        out_specs=[_row_spec(D), _row_spec(D), _row_spec(D)],
        out_shape=[
            jax.ShapeDtypeStruct((N, D), _F32),
            jax.ShapeDtypeStruct((N, D), _F32),
            jax.ShapeDtypeStruct((N, D), _F32),
        ],
    )(dis, xw, z, b, hprev, w)


def _bn(t, g, be, rm, rv):
    return (t - rm) * lax.rsqrt(rv + 1e-5) * g + be


def _tc_fin_body(dis_ref, xw_ref, z_ref, b_ref, hprev_ref,
                 rW1_ref, rb1_ref, rg1_ref, rbe1_ref, rrm1_ref, rrv1_ref,
                 rW2t_ref, rb2_ref,
                 pW1_ref, pb1_ref, pg1_ref, pbe1_ref, prm1_ref, prv1_ref,
                 pW2_ref, pb2_ref, pg2_ref, pbe2_ref, prm2_ref, prv2_ref,
                 pW3_ref, pb3_ref, out_ref):
    dis = dis_ref[...]
    z = z_ref[0] + z_ref[1]
    h3 = jnp.maximum(dis * z + (dis * dis) * xw_ref[...] + b_ref[...], 0.0)
    h3 = h3 + hprev_ref[...]

    r = jnp.dot(h3, rW1_ref[...], preferred_element_type=_F32) + rb1_ref[...]
    r = jnp.maximum(_bn(r, rg1_ref[...], rbe1_ref[...], rrm1_ref[...],
                        rrv1_ref[...]), 0.0)
    rad_lin = jnp.sum(r * rW2t_ref[...], axis=1, keepdims=True) + rb2_ref[...]
    radius = jnp.maximum(rad_lin, 0.0) + jnp.log1p(jnp.exp(-jnp.abs(rad_lin)))

    p = jnp.dot(h3, pW1_ref[...], preferred_element_type=_F32) + pb1_ref[...]
    p = jnp.maximum(_bn(p, pg1_ref[...], pbe1_ref[...], prm1_ref[...],
                        prv1_ref[...]), 0.0)
    p = jnp.dot(p, pW2_ref[...], preferred_element_type=_F32) + pb2_ref[...]
    p = jnp.maximum(_bn(p, pg2_ref[...], pbe2_ref[...], prm2_ref[...],
                        prv2_ref[...]), 0.0)
    coords = jnp.dot(p, pW3_ref[...], preferred_element_type=_F32) + pb3_ref[...]
    nrm = jnp.maximum(jnp.sqrt(jnp.sum(coords * coords, axis=1, keepdims=True)),
                      1e-12)
    out_ref[...] = coords / nrm * radius


def _tc_fin(dis, xw, z, b, hprev, rW1, rb1, rg1, rbe1, rrm1, rrv1,
            rW2t, rb2, pW1, pb1, pg1, pbe1, prm1, prv1, pW2, pb2, pg2, pbe2,
            prm2, prv2, pW3p, pb3p):
    H2 = D // 2
    return pl.pallas_call(
        _tc_fin_body,
        grid=(_G,),
        in_specs=[
            _row_spec(1), _row_spec(D), _z_spec(D),
            _rep_spec((1, D)), _row_spec(D),
            _rep_spec((D, H2)), _rep_spec((1, H2)), _rep_spec((1, H2)),
            _rep_spec((1, H2)), _rep_spec((1, H2)), _rep_spec((1, H2)),
            _rep_spec((1, H2)), _rep_spec((1, 1)),
            _rep_spec((D, D)), _rep_spec((1, D)), _rep_spec((1, D)),
            _rep_spec((1, D)), _rep_spec((1, D)), _rep_spec((1, D)),
            _rep_spec((D, H2)), _rep_spec((1, H2)), _rep_spec((1, H2)),
            _rep_spec((1, H2)), _rep_spec((1, H2)), _rep_spec((1, H2)),
            _rep_spec((H2, D)), _rep_spec((1, D)),
        ],
        out_specs=[_row_spec(D)],
        out_shape=[jax.ShapeDtypeStruct((N, D), _F32)],
    )(dis, xw, z, b, hprev, rW1, rb1, rg1, rbe1, rrm1, rrv1, rW2t, rb2,
      pW1, pb1, pg1, pbe1, prm1, prv1, pW2, pb2, pg2, pbe2, prm2, prv2,
      pW3p, pb3p)[0]



def kernel(x, edge_index, c1_W, c1_b, c2_W, c2_b, c3_W, c3_b,
           p_W1, p_b1, p_g1, p_be1, p_rm1, p_rv1,
           p_W2, p_b2, p_g2, p_be2, p_rm2, p_rv2, p_W3, p_b3,
           r_W1, r_b1, r_g1, r_be1, r_rm1, r_rv1, r_W2, r_b2):
    src3 = edge_index[0].reshape(NW, NCHUNK, K)
    dst3 = edge_index[1].reshape(NW, NCHUNK, K)

    degp = _sc_degree(dst3)
    xw1 = _tc_mm(x, c1_W)
    dis, y1 = _tc_pre(degp, xw1)

    z1 = _sc_aggregate(y1, src3, dst3)
    h1, xw2, y2 = _tc_mid(dis, xw1, z1, c1_b.reshape(1, D), x, c2_W,
                          residual=False)

    z2 = _sc_aggregate(y2, src3, dst3)
    h2, xw3, y3 = _tc_mid(dis, xw2, z2, c2_b.reshape(1, D), h1, c3_W,
                          residual=True)

    z3 = _sc_aggregate(y3, src3, dst3)

    H2 = D // 2
    pW3p = jnp.zeros((H2, D), _F32).at[:, :2].set(p_W3)
    pb3p = jnp.zeros((1, D), _F32).at[:, :2].set(p_b3.reshape(1, 2))
    out = _tc_fin(
        dis, xw3, z3, c3_b.reshape(1, D), h2,
        r_W1, r_b1.reshape(1, H2), r_g1.reshape(1, H2), r_be1.reshape(1, H2),
        r_rm1.reshape(1, H2), r_rv1.reshape(1, H2),
        r_W2.reshape(1, H2), r_b2.reshape(1, 1),
        p_W1, p_b1.reshape(1, D), p_g1.reshape(1, D), p_be1.reshape(1, D),
        p_rm1.reshape(1, D), p_rv1.reshape(1, D),
        p_W2, p_b2.reshape(1, H2), p_g2.reshape(1, H2), p_be2.reshape(1, H2),
        p_rm2.reshape(1, H2), p_rv2.reshape(1, H2),
        pW3p, pb3p)
    return out[:, :2]

# --- scband reference (transcript-rebuilt; emitter-appended) ---
"""Pipeline reference for scband-gnn-model-1-84825604096009 (READ-ONLY COPY).

The authoritative reference and input builder live on the scoring server;
editing this copy changes nothing except your own understanding.
"""

import jax, jax.numpy as jnp
import numpy as np

N = 10000
E = 320000
IN_DIM = 128
HID = 128

def _gcn_conv(x, src, dst, W, b):
    n = x.shape[0]
    loop = jnp.arange(n, dtype=src.dtype)
    src_f = jnp.concatenate([src, loop])
    dst_f = jnp.concatenate([dst, loop])
    deg = jnp.zeros((n,), dtype=x.dtype).at[dst_f].add(1.0)
    dis = jnp.where(deg > 0, 1.0 / jnp.sqrt(deg), 0.0)
    norm = dis[src_f] * dis[dst_f]
    xw = x @ W
    msg = xw[src_f] * norm[:, None]
    out = jnp.zeros((n, W.shape[1]), dtype=x.dtype).at[dst_f].add(msg)
    return out + b

def _bn(x, g, be, rm, rv):
    return (x - rm) / jnp.sqrt(rv + 1e-5) * g + be

def _forward(x, edge_index, c1_W, c1_b, c2_W, c2_b, c3_W, c3_b, p_W1, p_b1, p_g1, p_be1, p_rm1, p_rv1, p_W2, p_b2, p_g2, p_be2, p_rm2, p_rv2, p_W3, p_b3, r_W1, r_b1, r_g1, r_be1, r_rm1, r_rv1, r_W2, r_b2):
    src = edge_index[0]
    dst = edge_index[1]
    h1 = jax.nn.relu(_gcn_conv(x, src, dst, c1_W, c1_b))
    h2 = jax.nn.relu(_gcn_conv(h1, src, dst, c2_W, c2_b)) + h1
    h3 = jax.nn.relu(_gcn_conv(h2, src, dst, c3_W, c3_b)) + h2
    r = jax.nn.relu(_bn(h3 @ r_W1 + r_b1, r_g1, r_be1, r_rm1, r_rv1))
    radius = jax.nn.softplus(r @ r_W2 + r_b2)
    p = jax.nn.relu(_bn(h3 @ p_W1 + p_b1, p_g1, p_be1, p_rm1, p_rv1))
    p = jax.nn.relu(_bn(p @ p_W2 + p_b2, p_g2, p_be2, p_rm2, p_rv2))
    coords = p @ p_W3 + p_b3
    nrm = jnp.maximum(jnp.sqrt(jnp.sum(coords * coords, axis=1, keepdims=True)), 1e-12)
    return (coords / nrm) * radius

def setup_inputs(seed: int = 0):
    key = jax.random.key(seed)
    ks = jax.random.split(key, 16)
    d = {}
    d['x'] = jax.random.normal(ks[0], (N, IN_DIM), dtype=jnp.float32)
    d['edge_index'] = jax.random.randint(ks[1], (2, E), 0, N, dtype=jnp.int32)
    def lin(k, i, o):
        return jax.random.normal(k, (i, o), dtype=jnp.float32) * (1.0 / np.sqrt(i))
    d['c1_W'] = lin(ks[2], IN_DIM, HID); d['c1_b'] = jnp.zeros((HID,), jnp.float32)
    d['c2_W'] = lin(ks[3], HID, HID); d['c2_b'] = jnp.zeros((HID,), jnp.float32)
    d['c3_W'] = lin(ks[4], HID, HID); d['c3_b'] = jnp.zeros((HID,), jnp.float32)
    d['p_W1'] = lin(ks[5], HID, HID); d['p_b1'] = jnp.zeros((HID,), jnp.float32)
    d['p_g1'] = jnp.ones((HID,), jnp.float32); d['p_be1'] = jnp.zeros((HID,), jnp.float32)
    d['p_rm1'] = jnp.zeros((HID,), jnp.float32); d['p_rv1'] = jnp.ones((HID,), jnp.float32)
    d['p_W2'] = lin(ks[6], HID, HID // 2); d['p_b2'] = jnp.zeros((HID // 2,), jnp.float32)
    d['p_g2'] = jnp.ones((HID // 2,), jnp.float32); d['p_be2'] = jnp.zeros((HID // 2,), jnp.float32)
    d['p_rm2'] = jnp.zeros((HID // 2,), jnp.float32); d['p_rv2'] = jnp.ones((HID // 2,), jnp.float32)
    d['p_W3'] = lin(ks[7], HID // 2, 2); d['p_b3'] = jnp.zeros((2,), jnp.float32)
    d['r_W1'] = lin(ks[8], HID, HID // 2); d['r_b1'] = jnp.zeros((HID // 2,), jnp.float32)
    d['r_g1'] = jnp.ones((HID // 2,), jnp.float32); d['r_be1'] = jnp.zeros((HID // 2,), jnp.float32)
    d['r_rm1'] = jnp.zeros((HID // 2,), jnp.float32); d['r_rv1'] = jnp.ones((HID // 2,), jnp.float32)
    d['r_W2'] = lin(ks[9], HID // 2, 1); d['r_b2'] = jnp.zeros((1,), jnp.float32)
    return d

def reference(x, edge_index, c1_W, c1_b, c2_W, c2_b, c3_W, c3_b, p_W1, p_b1, p_g1, p_be1, p_rm1, p_rv1, p_W2, p_b2, p_g2, p_be2, p_rm2, p_rv2, p_W3, p_b3, r_W1, r_b1, r_g1, r_be1, r_rm1, r_rv1, r_W2, r_b2):
    return _forward(x, edge_index, c1_W, c1_b, c2_W, c2_b, c3_W, c3_b, p_W1, p_b1, p_g1, p_be1, p_rm1, p_rv1, p_W2, p_b2, p_g2, p_be2, p_rm2, p_rv2, p_W3, p_b3, r_W1, r_b1, r_g1, r_be1, r_rm1, r_rv1, r_W2, r_b2)

if __name__ == "__main__":
    import jax
    _d = setup_inputs()
    print(jax.jit(kernel)(*tuple(_d.values())))

</pallas_src>

<mosaic_0001>
#map = affine_map<(d0, d1) -> (0, 0, 0)>
#map1 = affine_map<(d0, d1) -> (0, 0)>
module attributes {stable_mosaic.version = 14 : i64} {
  func.func @_sc_deg_body(%arg0: i32, %arg1: i32, %arg2: memref<32x125x80xi32, #tpu.memory_space<hbm>>, %arg3: memref<80x128xf32, #tpu.memory_space<hbm>>, %arg4: memref<10240x128xf32, #tpu.memory_space<hbm>>, %arg5: memref<2x10240x128xf32, #tpu.memory_space<hbm>>, %arg6: memref<125x80xi32, #tpu.memory_space<vmem>>, %arg7: memref<80x128xf32, #tpu.memory_space<vmem>>, %arg8: memref<10240x128xf32, #tpu.memory_space<vmem_shared>>, %arg9: memref<!tpu.dma_semaphore, #tpu.memory_space<semaphore_mem>>) attributes {dimension_semantics = [#tpu.dimension_semantics<core_parallel>, #tpu.dimension_semantics<subcore_parallel>], iteration_bounds = array<i64: 2, 16>, scalar_prefetch = 0 : i64, scratch_operands = 4 : i64, tpu.core_type = #tpu.core_type<sc_vector_subcore>, window_params = [{transform_indices = #map}, {transform_indices = #map1}, {transform_indices = #map1}, {transform_indices = #map}]} {
    %mul3A = arith.constant 2 : i32
    %mul3A_0 = arith.muli %arg1, %mul3A : i32
    %add3A = arith.addi %mul3A_0, %arg0 : i32
    %mul3A_1 = arith.constant 640 : i32
    %mul3A_2 = arith.muli %arg1, %mul3A_1 : i32
    %mul3A_3 = arith.constant 640 : i32
    %mul3A_4 = arith.muli %arg1, %mul3A_3 : i32
    "tpu.region"() ({
      %run_scoped3A = tpu.sem_alloc : memref<!tpu.dma_semaphore, #tpu.memory_space<semaphore_mem>>
      %dma_start3A = arith.constant 0 : i32
      %dma_start3A_21 = tpu.memref_slice %arg8[%mul3A_4, %dma_start3A] : memref<10240x128xf32, #tpu.memory_space<vmem_shared>> -> memref<640x128xf32, #tpu.memory_space<vmem_shared>>
      %dma_start3A_22 = arith.constant 0 : i32
      %dma_start3A_23 = tpu.memref_slice %arg4[%mul3A_2, %dma_start3A_22] : memref<10240x128xf32, #tpu.memory_space<hbm>> -> memref<640x128xf32, #tpu.memory_space<hbm>>
      tpu.enqueue_dma source(%dma_start3A_23 : memref<640x128xf32, #tpu.memory_space<hbm>>) target(%dma_start3A_21 : memref<640x128xf32, #tpu.memory_space<vmem_shared>>) target_semaphore(%run_scoped3A : memref<!tpu.dma_semaphore, #tpu.memory_space<semaphore_mem>>)
      %dma_wait3A = arith.constant 0 : i32
      %dma_wait3A_24 = tpu.memref_slice %arg8[%mul3A_4, %dma_wait3A] : memref<10240x128xf32, #tpu.memory_space<vmem_shared>> -> memref<640x128xf32, #tpu.memory_space<vmem_shared>>
      %dma_wait3A_25 = arith.constant 0 : i32
      %dma_wait3A_26 = tpu.memref_slice %arg4[%mul3A_2, %dma_wait3A_25] : memref<10240x128xf32, #tpu.memory_space<hbm>> -> memref<640x128xf32, #tpu.memory_space<hbm>>
      tpu.wait_dma2 semaphore(%run_scoped3A : memref<!tpu.dma_semaphore, #tpu.memory_space<semaphore_mem>>) src(%dma_wait3A_26 : memref<640x128xf32, #tpu.memory_space<hbm>>) dst(%dma_wait3A_24 : memref<640x128xf32, #tpu.memory_space<vmem_shared>>)
      tpu.yield
    }) : () -> ()
    "tpu.region"() ({
      %run_scoped3A = tpu.sem_alloc : memref<!tpu.dma_semaphore, #tpu.memory_space<semaphore_mem>>
      %dma_start3A = arith.constant 0 : i32
      %dma_start3A_21 = arith.constant 0 : i32
      %dma_start3A_22 = tpu.memref_slice %arg2[%add3A, %dma_start3A, %dma_start3A_21] : memref<32x125x80xi32, #tpu.memory_space<hbm>> -> memref<1x125x80xi32, #tpu.memory_space<hbm>>
      %dma_start3A_23 = tpu.memref_squeeze %dma_start3A_22 : memref<1x125x80xi32, #tpu.memory_space<hbm>> -> memref<125x80xi32, #tpu.memory_space<hbm>>
      %dma_start3A_24 = arith.constant 0 : i32
      %dma_start3A_25 = arith.constant 0 : i32
      %dma_start3A_26 = tpu.memref_slice %arg2[%add3A, %dma_start3A_24, %dma_start3A_25] : memref<32x125x80xi32, #tpu.memory_space<hbm>> -> memref<1x125x80xi32, #tpu.memory_space<hbm>>
      %dma_start3A_27 = tpu.memref_squeeze %dma_start3A_26 : memref<1x125x80xi32, #tpu.memory_space<hbm>> -> memref<125x80xi32, #tpu.memory_space<hbm>>
      tpu.enqueue_dma source(%dma_start3A_27 : memref<125x80xi32, #tpu.memory_space<hbm>>) target(%arg6 : memref<125x80xi32, #tpu.memory_space<vmem>>) target_semaphore(%run_scoped3A : memref<!tpu.dma_semaphore, #tpu.memory_space<semaphore_mem>>)
      %dma_wait3A = arith.constant 0 : i32
      %dma_wait3A_28 = arith.constant 0 : i32
      %dma_wait3A_29 = tpu.memref_slice %arg2[%add3A, %dma_wait3A, %dma_wait3A_28] : memref<32x125x80xi32, #tpu.memory_space<hbm>> -> memref<1x125x80xi32, #tpu.memory_space<hbm>>
      %dma_wait3A_30 = tpu.memref_squeeze %dma_wait3A_29 : memref<1x125x80xi32, #tpu.memory_space<hbm>> -> memref<125x80xi32, #tpu.memory_space<hbm>>
      %dma_wait3A_31 = arith.constant 0 : i32
      %dma_wait3A_32 = arith.constant 0 : i32
      %dma_wait3A_33 = tpu.memref_slice %arg2[%add3A, %dma_wait3A_31, %dma_wait3A_32] : memref<32x125x80xi32, #tpu.memory_space<hbm>> -> memref<1x125x80xi32, #tpu.memory_space<hbm>>
      %dma_wait3A_34 = tpu.memref_squeeze %dma_wait3A_33 : memref<1x125x80xi32, #tpu.memory_space<hbm>> -> memref<125x80xi32, #tpu.memory_space<hbm>>
      tpu.wait_dma2 semaphore(%run_scoped3A : memref<!tpu.dma_semaphore, #tpu.memory_space<semaphore_mem>>) src(%dma_wait3A_34 : memref<125x80xi32, #tpu.memory_space<hbm>>) dst(%arg6 : memref<125x80xi32, #tpu.memory_space<vmem>>)
      tpu.yield
    }) : () -> ()
    "tpu.region"() ({
      %run_scoped3A = tpu.sem_alloc : memref<!tpu.dma_semaphore, #tpu.memory_space<semaphore_mem>>
      tpu.enqueue_dma source(%arg3 : memref<80x128xf32, #tpu.memory_space<hbm>>) target(%arg7 : memref<80x128xf32, #tpu.memory_space<vmem>>) target_semaphore(%run_scoped3A : memref<!tpu.dma_semaphore, #tpu.memory_space<semaphore_mem>>)
      tpu.wait_dma2 semaphore(%run_scoped3A : memref<!tpu.dma_semaphore, #tpu.memory_space<semaphore_mem>>) src(%arg3 : memref<80x128xf32, #tpu.memory_space<hbm>>) dst(%arg7 : memref<80x128xf32, #tpu.memory_space<vmem>>)
      tpu.yield
    }) : () -> ()
    %barrier3A = arith.constant 0 : index
    tpu.barrier barrier_id(%barrier3A)
    %scan3A = arith.constant 0 : i32
    %scan3A_5 = arith.constant 0 : i32
    %scan3A_6 = arith.constant 125 : i32
    %scan3A_7 = arith.addi %scan3A_5, %scan3A_6 : i32
    %scan3A_8 = arith.constant 1 : i32
    scf.for %scan3A_21 = %scan3A_5 to %scan3A_7 step %scan3A_8  : i32 {
      %dma_start3A = arith.constant 0 : i32
      %dma_start3A_22 = tpu.memref_slice %arg6[%scan3A_21, %dma_start3A] : memref<125x80xi32, #tpu.memory_space<vmem>> -> memref<1x80xi32, #tpu.memory_space<vmem>>
      %dma_start3A_23 = tpu.memref_squeeze %dma_start3A_22 : memref<1x80xi32, #tpu.memory_space<vmem>> -> memref<80xi32, #tpu.memory_space<vmem>>
      %dma_start3A_24 = arith.constant 0 : i32
      %dma_start3A_25 = arith.constant 0 : i32
      %dma_start3A_26 = tpu.memref_slice %arg8[%dma_start3A_24, %dma_start3A_25] : memref<10240x128xf32, #tpu.memory_space<vmem_shared>> -> memref<10240x128xf32, #tpu.memory_space<vmem_shared>>
      tpu.enqueue_indirect_dma source(%arg7 : memref<80x128xf32, #tpu.memory_space<vmem>>) target(%dma_start3A_26 : memref<10240x128xf32, #tpu.memory_space<vmem_shared>>) offsets(%dma_start3A_23 : memref<80xi32, #tpu.memory_space<vmem>>) semaphore(%arg9 : memref<!tpu.dma_semaphore, #tpu.memory_space<semaphore_mem>>) {add = true}
    }
    %scan3A_9 = arith.constant 125 : i32
    %scan3A_10 = arith.constant 0 : i32
    %scan3A_11 = arith.constant 0 : i32
    %scan3A_12 = arith.constant 125 : i32
    %scan3A_13 = arith.addi %scan3A_11, %scan3A_12 : i32
    %scan3A_14 = arith.constant 1 : i32
    scf.for %scan3A_21 = %scan3A_11 to %scan3A_13 step %scan3A_14  : i32 {
      %dma_wait3A = arith.constant 0 : i32
      %dma_wait3A_22 = tpu.memref_slice %arg6[%scan3A_21, %dma_wait3A] : memref<125x80xi32, #tpu.memory_space<vmem>> -> memref<1x80xi32, #tpu.memory_space<vmem>>
      %dma_wait3A_23 = tpu.memref_squeeze %dma_wait3A_22 : memref<1x80xi32, #tpu.memory_space<vmem>> -> memref<80xi32, #tpu.memory_space<vmem>>
      %dma_wait3A_24 = arith.constant 0 : i32
      %dma_wait3A_25 = arith.constant 0 : i32
      %dma_wait3A_26 = tpu.memref_slice %arg8[%dma_wait3A_24, %dma_wait3A_25] : memref<10240x128xf32, #tpu.memory_space<vmem_shared>> -> memref<10240x128xf32, #tpu.memory_space<vmem_shared>>
      tpu.wait_indirect_dma semaphore(%arg9 : memref<!tpu.dma_semaphore, #tpu.memory_space<semaphore_mem>>) src(%arg7 : memref<80x128xf32, #tpu.memory_space<vmem>>) dst(%dma_wait3A_26 : memref<10240x128xf32, #tpu.memory_space<vmem_shared>>)
    }
    %scan3A_15 = arith.constant 125 : i32
    %barrier3A_16 = arith.constant 0 : index
    tpu.barrier barrier_id(%barrier3A_16)
    %mul3A_17 = arith.constant 640 : i32
    %mul3A_18 = arith.muli %arg1, %mul3A_17 : i32
    %mul3A_19 = arith.constant 640 : i32
    %mul3A_20 = arith.muli %arg1, %mul3A_19 : i32
    "tpu.region"() ({
      %run_scoped3A = tpu.sem_alloc : memref<!tpu.dma_semaphore, #tpu.memory_space<semaphore_mem>>
      %dma_start3A = arith.constant 0 : i32
      %dma_start3A_21 = tpu.memref_slice %arg5[%arg0, %mul3A_20, %dma_start3A] : memref<2x10240x128xf32, #tpu.memory_space<hbm>> -> memref<1x640x128xf32, #tpu.memory_space<hbm>>
      %dma_start3A_22 = tpu.memref_squeeze %dma_start3A_21 : memref<1x640x128xf32, #tpu.memory_space<hbm>> -> memref<640x128xf32, #tpu.memory_space<hbm>>
      %dma_start3A_23 = arith.constant 0 : i32
      %dma_start3A_24 = tpu.memref_slice %arg8[%mul3A_18, %dma_start3A_23] : memref<10240x128xf32, #tpu.memory_space<vmem_shared>> -> memref<640x128xf32, #tpu.memory_space<vmem_shared>>
      tpu.enqueue_dma source(%dma_start3A_24 : memref<640x128xf32, #tpu.memory_space<vmem_shared>>) target(%dma_start3A_22 : memref<640x128xf32, #tpu.memory_space<hbm>>) target_semaphore(%run_scoped3A : memref<!tpu.dma_semaphore, #tpu.memory_space<semaphore_mem>>)
      %dma_wait3A = arith.constant 0 : i32
      %dma_wait3A_25 = tpu.memref_slice %arg5[%arg0, %mul3A_20, %dma_wait3A] : memref<2x10240x128xf32, #tpu.memory_space<hbm>> -> memref<1x640x128xf32, #tpu.memory_space<hbm>>
      %dma_wait3A_26 = tpu.memref_squeeze %dma_wait3A_25 : memref<1x640x128xf32, #tpu.memory_space<hbm>> -> memref<640x128xf32, #tpu.memory_space<hbm>>
      %dma_wait3A_27 = arith.constant 0 : i32
      %dma_wait3A_28 = tpu.memref_slice %arg8[%mul3A_18, %dma_wait3A_27] : memref<10240x128xf32, #tpu.memory_space<vmem_shared>> -> memref<640x128xf32, #tpu.memory_space<vmem_shared>>
      tpu.wait_dma2 semaphore(%run_scoped3A : memref<!tpu.dma_semaphore, #tpu.memory_space<semaphore_mem>>) src(%dma_wait3A_28 : memref<640x128xf32, #tpu.memory_space<vmem_shared>>) dst(%dma_wait3A_26 : memref<640x128xf32, #tpu.memory_space<hbm>>)
      tpu.yield
    }) : () -> ()
    return
  }
}

#map = affine_map<(d0, d1) -> (0, 0)>
#map1 = affine_map<(d0, d1) -> (0, 0, 0)>
module attributes {stable_mosaic.version = 14 : i64} {
  func.func @_sc_agg_body(%arg0: i32, %arg1: i32, %arg2: memref<10000x128xf32, #tpu.memory_space<hbm>>, %arg3: memref<32x125x80xi32, #tpu.memory_space<hbm>>, %arg4: memref<32x125x80xi32, #tpu.memory_space<hbm>>, %arg5: memref<10240x128xf32, #tpu.memory_space<hbm>>, %arg6: memref<2x10240x128xf32, #tpu.memory_space<hbm>>, %arg7: memref<125x80xi32, #tpu.memory_space<vmem>>, %arg8: memref<125x80xi32, #tpu.memory_space<vmem>>, %arg9: memref<80x128xf32, #tpu.memory_space<vmem>>, %arg10: memref<10240x128xf32, #tpu.memory_space<vmem_shared>>, %arg11: memref<!tpu.dma_semaphore, #tpu.memory_space<semaphore_mem>>) attributes {dimension_semantics = [#tpu.dimension_semantics<core_parallel>, #tpu.dimension_semantics<subcore_parallel>], iteration_bounds = array<i64: 2, 16>, scalar_prefetch = 0 : i64, scratch_operands = 5 : i64, tpu.core_type = #tpu.core_type<sc_vector_subcore>, window_params = [{transform_indices = #map}, {transform_indices = #map1}, {transform_indices = #map1}, {transform_indices = #map}, {transform_indices = #map1}]} {
    %mul3A = arith.constant 2 : i32
    %mul3A_0 = arith.muli %arg1, %mul3A : i32
    %add3A = arith.addi %mul3A_0, %arg0 : i32
    %mul3A_1 = arith.constant 640 : i32
    %mul3A_2 = arith.muli %arg1, %mul3A_1 : i32
    %mul3A_3 = arith.constant 640 : i32
    %mul3A_4 = arith.muli %arg1, %mul3A_3 : i32
    "tpu.region"() ({
      %run_scoped3A = tpu.sem_alloc : memref<!tpu.dma_semaphore, #tpu.memory_space<semaphore_mem>>
      %dma_start3A = arith.constant 0 : i32
      %dma_start3A_15 = tpu.memref_slice %arg10[%mul3A_4, %dma_start3A] : memref<10240x128xf32, #tpu.memory_space<vmem_shared>> -> memref<640x128xf32, #tpu.memory_space<vmem_shared>>
      %dma_start3A_16 = arith.constant 0 : i32
      %dma_start3A_17 = tpu.memref_slice %arg5[%mul3A_2, %dma_start3A_16] : memref<10240x128xf32, #tpu.memory_space<hbm>> -> memref<640x128xf32, #tpu.memory_space<hbm>>
      tpu.enqueue_dma source(%dma_start3A_17 : memref<640x128xf32, #tpu.memory_space<hbm>>) target(%dma_start3A_15 : memref<640x128xf32, #tpu.memory_space<vmem_shared>>) target_semaphore(%run_scoped3A : memref<!tpu.dma_semaphore, #tpu.memory_space<semaphore_mem>>)
      %dma_wait3A = arith.constant 0 : i32
      %dma_wait3A_18 = tpu.memref_slice %arg10[%mul3A_4, %dma_wait3A] : memref<10240x128xf32, #tpu.memory_space<vmem_shared>> -> memref<640x128xf32, #tpu.memory_space<vmem_shared>>
      %dma_wait3A_19 = arith.constant 0 : i32
      %dma_wait3A_20 = tpu.memref_slice %arg5[%mul3A_2, %dma_wait3A_19] : memref<10240x128xf32, #tpu.memory_space<hbm>> -> memref<640x128xf32, #tpu.memory_space<hbm>>
      tpu.wait_dma2 semaphore(%run_scoped3A : memref<!tpu.dma_semaphore, #tpu.memory_space<semaphore_mem>>) src(%dma_wait3A_20 : memref<640x128xf32, #tpu.memory_space<hbm>>) dst(%dma_wait3A_18 : memref<640x128xf32, #tpu.memory_space<vmem_shared>>)
      tpu.yield
    }) : () -> ()
    "tpu.region"() ({
      %run_scoped3A = tpu.sem_alloc : memref<!tpu.dma_semaphore, #tpu.memory_space<semaphore_mem>>
      %dma_start3A = arith.constant 0 : i32
      %dma_start3A_15 = arith.constant 0 : i32
      %dma_start3A_16 = tpu.memref_slice %arg3[%add3A, %dma_start3A, %dma_start3A_15] : memref<32x125x80xi32, #tpu.memory_space<hbm>> -> memref<1x125x80xi32, #tpu.memory_space<hbm>>
      %dma_start3A_17 = tpu.memref_squeeze %dma_start3A_16 : memref<1x125x80xi32, #tpu.memory_space<hbm>> -> memref<125x80xi32, #tpu.memory_space<hbm>>
      %dma_start3A_18 = arith.constant 0 : i32
      %dma_start3A_19 = arith.constant 0 : i32
      %dma_start3A_20 = tpu.memref_slice %arg3[%add3A, %dma_start3A_18, %dma_start3A_19] : memref<32x125x80xi32, #tpu.memory_space<hbm>> -> memref<1x125x80xi32, #tpu.memory_space<hbm>>
      %dma_start3A_21 = tpu.memref_squeeze %dma_start3A_20 : memref<1x125x80xi32, #tpu.memory_space<hbm>> -> memref<125x80xi32, #tpu.memory_space<hbm>>
      tpu.enqueue_dma source(%dma_start3A_21 : memref<125x80xi32, #tpu.memory_space<hbm>>) target(%arg7 : memref<125x80xi32, #tpu.memory_space<vmem>>) target_semaphore(%run_scoped3A : memref<!tpu.dma_semaphore, #tpu.memory_space<semaphore_mem>>)
      %dma_wait3A = arith.constant 0 : i32
      %dma_wait3A_22 = arith.constant 0 : i32
      %dma_wait3A_23 = tpu.memref_slice %arg3[%add3A, %dma_wait3A, %dma_wait3A_22] : memref<32x125x80xi32, #tpu.memory_space<hbm>> -> memref<1x125x80xi32, #tpu.memory_space<hbm>>
      %dma_wait3A_24 = tpu.memref_squeeze %dma_wait3A_23 : memref<1x125x80xi32, #tpu.memory_space<hbm>> -> memref<125x80xi32, #tpu.memory_space<hbm>>
      %dma_wait3A_25 = arith.constant 0 : i32
      %dma_wait3A_26 = arith.constant 0 : i32
      %dma_wait3A_27 = tpu.memref_slice %arg3[%add3A, %dma_wait3A_25, %dma_wait3A_26] : memref<32x125x80xi32, #tpu.memory_space<hbm>> -> memref<1x125x80xi32, #tpu.memory_space<hbm>>
      %dma_wait3A_28 = tpu.memref_squeeze %dma_wait3A_27 : memref<1x125x80xi32, #tpu.memory_space<hbm>> -> memref<125x80xi32, #tpu.memory_space<hbm>>
      tpu.wait_dma2 semaphore(%run_scoped3A : memref<!tpu.dma_semaphore, #tpu.memory_space<semaphore_mem>>) src(%dma_wait3A_28 : memref<125x80xi32, #tpu.memory_space<hbm>>) dst(%arg7 : memref<125x80xi32, #tpu.memory_space<vmem>>)
      tpu.yield
    }) : () -> ()
    "tpu.region"() ({
      %run_scoped3A = tpu.sem_alloc : memref<!tpu.dma_semaphore, #tpu.memory_space<semaphore_mem>>
      %dma_start3A = arith.constant 0 : i32
      %dma_start3A_15 = arith.constant 0 : i32
      %dma_start3A_16 = tpu.memref_slice %arg4[%add3A, %dma_start3A, %dma_start3A_15] : memref<32x125x80xi32, #tpu.memory_space<hbm>> -> memref<1x125x80xi32, #tpu.memory_space<hbm>>
      %dma_start3A_17 = tpu.memref_squeeze %dma_start3A_16 : memref<1x125x80xi32, #tpu.memory_space<hbm>> -> memref<125x80xi32, #tpu.memory_space<hbm>>
      %dma_start3A_18 = arith.constant 0 : i32
      %dma_start3A_19 = arith.constant 0 : i32
      %dma_start3A_20 = tpu.memref_slice %arg4[%add3A, %dma_start3A_18, %dma_start3A_19] : memref<32x125x80xi32, #tpu.memory_space<hbm>> -> memref<1x125x80xi32, #tpu.memory_space<hbm>>
      %dma_start3A_21 = tpu.memref_squeeze %dma_start3A_20 : memref<1x125x80xi32, #tpu.memory_space<hbm>> -> memref<125x80xi32, #tpu.memory_space<hbm>>
      tpu.enqueue_dma source(%dma_start3A_21 : memref<125x80xi32, #tpu.memory_space<hbm>>) target(%arg8 : memref<125x80xi32, #tpu.memory_space<vmem>>) target_semaphore(%run_scoped3A : memref<!tpu.dma_semaphore, #tpu.memory_space<semaphore_mem>>)
      %dma_wait3A = arith.constant 0 : i32
      %dma_wait3A_22 = arith.constant 0 : i32
      %dma_wait3A_23 = tpu.memref_slice %arg4[%add3A, %dma_wait3A, %dma_wait3A_22] : memref<32x125x80xi32, #tpu.memory_space<hbm>> -> memref<1x125x80xi32, #tpu.memory_space<hbm>>
      %dma_wait3A_24 = tpu.memref_squeeze %dma_wait3A_23 : memref<1x125x80xi32, #tpu.memory_space<hbm>> -> memref<125x80xi32, #tpu.memory_space<hbm>>
      %dma_wait3A_25 = arith.constant 0 : i32
      %dma_wait3A_26 = arith.constant 0 : i32
      %dma_wait3A_27 = tpu.memref_slice %arg4[%add3A, %dma_wait3A_25, %dma_wait3A_26] : memref<32x125x80xi32, #tpu.memory_space<hbm>> -> memref<1x125x80xi32, #tpu.memory_space<hbm>>
      %dma_wait3A_28 = tpu.memref_squeeze %dma_wait3A_27 : memref<1x125x80xi32, #tpu.memory_space<hbm>> -> memref<125x80xi32, #tpu.memory_space<hbm>>
      tpu.wait_dma2 semaphore(%run_scoped3A : memref<!tpu.dma_semaphore, #tpu.memory_space<semaphore_mem>>) src(%dma_wait3A_28 : memref<125x80xi32, #tpu.memory_space<hbm>>) dst(%arg8 : memref<125x80xi32, #tpu.memory_space<vmem>>)
      tpu.yield
    }) : () -> ()
    %barrier3A = arith.constant 0 : index
    tpu.barrier barrier_id(%barrier3A)
    %scan3A = arith.constant 0 : i32
    %scan3A_5 = arith.constant 0 : i32
    %scan3A_6 = arith.constant 125 : i32
    %scan3A_7 = arith.addi %scan3A_5, %scan3A_6 : i32
    %scan3A_8 = arith.constant 1 : i32
    scf.for %scan3A_15 = %scan3A_5 to %scan3A_7 step %scan3A_8  : i32 {
      %dma_start3A = arith.constant 0 : i32
      %dma_start3A_16 = tpu.memref_slice %arg7[%scan3A_15, %dma_start3A] : memref<125x80xi32, #tpu.memory_space<vmem>> -> memref<1x80xi32, #tpu.memory_space<vmem>>
      %dma_start3A_17 = tpu.memref_squeeze %dma_start3A_16 : memref<1x80xi32, #tpu.memory_space<vmem>> -> memref<80xi32, #tpu.memory_space<vmem>>
      %dma_start3A_18 = arith.constant 0 : i32
      %dma_start3A_19 = arith.constant 0 : i32
      %dma_start3A_20 = tpu.memref_slice %arg2[%dma_start3A_18, %dma_start3A_19] : memref<10000x128xf32, #tpu.memory_space<hbm>> -> memref<10000x128xf32, #tpu.memory_space<hbm>>
      tpu.enqueue_indirect_dma source(%dma_start3A_20 : memref<10000x128xf32, #tpu.memory_space<hbm>>) target(%arg9 : memref<80x128xf32, #tpu.memory_space<vmem>>) offsets(%dma_start3A_17 : memref<80xi32, #tpu.memory_space<vmem>>) semaphore(%arg11 : memref<!tpu.dma_semaphore, #tpu.memory_space<semaphore_mem>>)
      %dma_wait3A = arith.constant 0 : i32
      %dma_wait3A_21 = tpu.memref_slice %arg7[%scan3A_15, %dma_wait3A] : memref<125x80xi32, #tpu.memory_space<vmem>> -> memref<1x80xi32, #tpu.memory_space<vmem>>
      %dma_wait3A_22 = tpu.memref_squeeze %dma_wait3A_21 : memref<1x80xi32, #tpu.memory_space<vmem>> -> memref<80xi32, #tpu.memory_space<vmem>>
      %dma_wait3A_23 = arith.constant 0 : i32
      %dma_wait3A_24 = arith.constant 0 : i32
      %dma_wait3A_25 = tpu.memref_slice %arg2[%dma_wait3A_23, %dma_wait3A_24] : memref<10000x128xf32, #tpu.memory_space<hbm>> -> memref<10000x128xf32, #tpu.memory_space<hbm>>
      tpu.wait_indirect_dma semaphore(%arg11 : memref<!tpu.dma_semaphore, #tpu.memory_space<semaphore_mem>>) src(%dma_wait3A_25 : memref<10000x128xf32, #tpu.memory_space<hbm>>) dst(%arg9 : memref<80x128xf32, #tpu.memory_space<vmem>>)
      "tpu.region"() ({
        %run_scoped3A = tpu.sem_alloc : memref<!tpu.dma_semaphore, #tpu.memory_space<semaphore_mem>>
        %dma_start3A_26 = arith.constant 0 : i32
        %dma_start3A_27 = tpu.memref_slice %arg8[%scan3A_15, %dma_start3A_26] : memref<125x80xi32, #tpu.memory_space<vmem>> -> memref<1x80xi32, #tpu.memory_space<vmem>>
        %dma_start3A_28 = tpu.memref_squeeze %dma_start3A_27 : memref<1x80xi32, #tpu.memory_space<vmem>> -> memref<80xi32, #tpu.memory_space<vmem>>
        %dma_start3A_29 = arith.constant 0 : i32
        %dma_start3A_30 = arith.constant 0 : i32
        %dma_start3A_31 = tpu.memref_slice %arg10[%dma_start3A_29, %dma_start3A_30] : memref<10240x128xf32, #tpu.memory_space<vmem_shared>> -> memref<10240x128xf32, #tpu.memory_space<vmem_shared>>
        tpu.enqueue_indirect_dma source(%arg9 : memref<80x128xf32, #tpu.memory_space<vmem>>) target(%dma_start3A_31 : memref<10240x128xf32, #tpu.memory_space<vmem_shared>>) offsets(%dma_start3A_28 : memref<80xi32, #tpu.memory_space<vmem>>) semaphore(%run_scoped3A : memref<!tpu.dma_semaphore, #tpu.memory_space<semaphore_mem>>) {add = true}
        %dma_wait3A_32 = arith.constant 0 : i32
        %dma_wait3A_33 = tpu.memref_slice %arg8[%scan3A_15, %dma_wait3A_32] : memref<125x80xi32, #tpu.memory_space<vmem>> -> memref<1x80xi32, #tpu.memory_space<vmem>>
        %dma_wait3A_34 = tpu.memref_squeeze %dma_wait3A_33 : memref<1x80xi32, #tpu.memory_space<vmem>> -> memref<80xi32, #tpu.memory_space<vmem>>
        %dma_wait3A_35 = arith.constant 0 : i32
        %dma_wait3A_36 = arith.constant 0 : i32
        %dma_wait3A_37 = tpu.memref_slice %arg10[%dma_wait3A_35, %dma_wait3A_36] : memref<10240x128xf32, #tpu.memory_space<vmem_shared>> -> memref<10240x128xf32, #tpu.memory_space<vmem_shared>>
        tpu.wait_indirect_dma semaphore(%run_scoped3A : memref<!tpu.dma_semaphore, #tpu.memory_space<semaphore_mem>>) src(%arg9 : memref<80x128xf32, #tpu.memory_space<vmem>>) dst(%dma_wait3A_37 : memref<10240x128xf32, #tpu.memory_space<vmem_shared>>)
        tpu.yield
      }) : () -> ()
    }
    %scan3A_9 = arith.constant 125 : i32
    %barrier3A_10 = arith.constant 0 : index
    tpu.barrier barrier_id(%barrier3A_10)
    %mul3A_11 = arith.constant 640 : i32
    %mul3A_12 = arith.muli %arg1, %mul3A_11 : i32
    %mul3A_13 = arith.constant 640 : i32
    %mul3A_14 = arith.muli %arg1, %mul3A_13 : i32
    "tpu.region"() ({
      %run_scoped3A = tpu.sem_alloc : memref<!tpu.dma_semaphore, #tpu.memory_space<semaphore_mem>>
      %dma_start3A = arith.constant 0 : i32
      %dma_start3A_15 = tpu.memref_slice %arg6[%arg0, %mul3A_14, %dma_start3A] : memref<2x10240x128xf32, #tpu.memory_space<hbm>> -> memref<1x640x128xf32, #tpu.memory_space<hbm>>
      %dma_start3A_16 = tpu.memref_squeeze %dma_start3A_15 : memref<1x640x128xf32, #tpu.memory_space<hbm>> -> memref<640x128xf32, #tpu.memory_space<hbm>>
      %dma_start3A_17 = arith.constant 0 : i32
      %dma_start3A_18 = tpu.memref_slice %arg10[%mul3A_12, %dma_start3A_17] : memref<10240x128xf32, #tpu.memory_space<vmem_shared>> -> memref<640x128xf32, #tpu.memory_space<vmem_shared>>
      tpu.enqueue_dma source(%dma_start3A_18 : memref<640x128xf32, #tpu.memory_space<vmem_shared>>) target(%dma_start3A_16 : memref<640x128xf32, #tpu.memory_space<hbm>>) target_semaphore(%run_scoped3A : memref<!tpu.dma_semaphore, #tpu.memory_space<semaphore_mem>>)
      %dma_wait3A = arith.constant 0 : i32
      %dma_wait3A_19 = tpu.memref_slice %arg6[%arg0, %mul3A_14, %dma_wait3A] : memref<2x10240x128xf32, #tpu.memory_space<hbm>> -> memref<1x640x128xf32, #tpu.memory_space<hbm>>
      %dma_wait3A_20 = tpu.memref_squeeze %dma_wait3A_19 : memref<1x640x128xf32, #tpu.memory_space<hbm>> -> memref<640x128xf32, #tpu.memory_space<hbm>>
      %dma_wait3A_21 = arith.constant 0 : i32
      %dma_wait3A_22 = tpu.memref_slice %arg10[%mul3A_12, %dma_wait3A_21] : memref<10240x128xf32, #tpu.memory_space<vmem_shared>> -> memref<640x128xf32, #tpu.memory_space<vmem_shared>>
      tpu.wait_dma2 semaphore(%run_scoped3A : memref<!tpu.dma_semaphore, #tpu.memory_space<semaphore_mem>>) src(%dma_wait3A_22 : memref<640x128xf32, #tpu.memory_space<vmem_shared>>) dst(%dma_wait3A_20 : memref<640x128xf32, #tpu.memory_space<hbm>>)
      tpu.yield
    }) : () -> ()
    return
  }
}

#map = affine_map<(d0, d1) -> (0, 0)>
#map1 = affine_map<(d0, d1) -> (0, 0, 0)>
module attributes {stable_mosaic.version = 14 : i64} {
  func.func @_sc_agg_body(%arg0: i32, %arg1: i32, %arg2: memref<10000x128xf32, #tpu.memory_space<hbm>>, %arg3: memref<32x125x80xi32, #tpu.memory_space<hbm>>, %arg4: memref<32x125x80xi32, #tpu.memory_space<hbm>>, %arg5: memref<10240x128xf32, #tpu.memory_space<hbm>>, %arg6: memref<2x10240x128xf32, #tpu.memory_space<hbm>>, %arg7: memref<125x80xi32, #tpu.memory_space<vmem>>, %arg8: memref<125x80xi32, #tpu.memory_space<vmem>>, %arg9: memref<80x128xf32, #tpu.memory_space<vmem>>, %arg10: memref<10240x128xf32, #tpu.memory_space<vmem_shared>>, %arg11: memref<!tpu.dma_semaphore, #tpu.memory_space<semaphore_mem>>) attributes {dimension_semantics = [#tpu.dimension_semantics<core_parallel>, #tpu.dimension_semantics<subcore_parallel>], iteration_bounds = array<i64: 2, 16>, scalar_prefetch = 0 : i64, scratch_operands = 5 : i64, tpu.core_type = #tpu.core_type<sc_vector_subcore>, window_params = [{transform_indices = #map}, {transform_indices = #map1}, {transform_indices = #map1}, {transform_indices = #map}, {transform_indices = #map1}]} {
    %mul3A = arith.constant 2 : i32
    %mul3A_0 = arith.muli %arg1, %mul3A : i32
    %add3A = arith.addi %mul3A_0, %arg0 : i32
    %mul3A_1 = arith.constant 640 : i32
    %mul3A_2 = arith.muli %arg1, %mul3A_1 : i32
    %mul3A_3 = arith.constant 640 : i32
    %mul3A_4 = arith.muli %arg1, %mul3A_3 : i32
    "tpu.region"() ({
      %run_scoped3A = tpu.sem_alloc : memref<!tpu.dma_semaphore, #tpu.memory_space<semaphore_mem>>
      %dma_start3A = arith.constant 0 : i32
      %dma_start3A_15 = tpu.memref_slice %arg10[%mul3A_4, %dma_start3A] : memref<10240x128xf32, #tpu.memory_space<vmem_shared>> -> memref<640x128xf32, #tpu.memory_space<vmem_shared>>
      %dma_start3A_16 = arith.constant 0 : i32
      %dma_start3A_17 = tpu.memref_slice %arg5[%mul3A_2, %dma_start3A_16] : memref<10240x128xf32, #tpu.memory_space<hbm>> -> memref<640x128xf32, #tpu.memory_space<hbm>>
      tpu.enqueue_dma source(%dma_start3A_17 : memref<640x128xf32, #tpu.memory_space<hbm>>) target(%dma_start3A_15 : memref<640x128xf32, #tpu.memory_space<vmem_shared>>) target_semaphore(%run_scoped3A : memref<!tpu.dma_semaphore, #tpu.memory_space<semaphore_mem>>)
      %dma_wait3A = arith.constant 0 : i32
      %dma_wait3A_18 = tpu.memref_slice %arg10[%mul3A_4, %dma_wait3A] : memref<10240x128xf32, #tpu.memory_space<vmem_shared>> -> memref<640x128xf32, #tpu.memory_space<vmem_shared>>
      %dma_wait3A_19 = arith.constant 0 : i32
      %dma_wait3A_20 = tpu.memref_slice %arg5[%mul3A_2, %dma_wait3A_19] : memref<10240x128xf32, #tpu.memory_space<hbm>> -> memref<640x128xf32, #tpu.memory_space<hbm>>
      tpu.wait_dma2 semaphore(%run_scoped3A : memref<!tpu.dma_semaphore, #tpu.memory_space<semaphore_mem>>) src(%dma_wait3A_20 : memref<640x128xf32, #tpu.memory_space<hbm>>) dst(%dma_wait3A_18 : memref<640x128xf32, #tpu.memory_space<vmem_shared>>)
      tpu.yield
    }) : () -> ()
    "tpu.region"() ({
      %run_scoped3A = tpu.sem_alloc : memref<!tpu.dma_semaphore, #tpu.memory_space<semaphore_mem>>
      %dma_start3A = arith.constant 0 : i32
      %dma_start3A_15 = arith.constant 0 : i32
      %dma_start3A_16 = tpu.memref_slice %arg3[%add3A, %dma_start3A, %dma_start3A_15] : memref<32x125x80xi32, #tpu.memory_space<hbm>> -> memref<1x125x80xi32, #tpu.memory_space<hbm>>
      %dma_start3A_17 = tpu.memref_squeeze %dma_start3A_16 : memref<1x125x80xi32, #tpu.memory_space<hbm>> -> memref<125x80xi32, #tpu.memory_space<hbm>>
      %dma_start3A_18 = arith.constant 0 : i32
      %dma_start3A_19 = arith.constant 0 : i32
      %dma_start3A_20 = tpu.memref_slice %arg3[%add3A, %dma_start3A_18, %dma_start3A_19] : memref<32x125x80xi32, #tpu.memory_space<hbm>> -> memref<1x125x80xi32, #tpu.memory_space<hbm>>
      %dma_start3A_21 = tpu.memref_squeeze %dma_start3A_20 : memref<1x125x80xi32, #tpu.memory_space<hbm>> -> memref<125x80xi32, #tpu.memory_space<hbm>>
      tpu.enqueue_dma source(%dma_start3A_21 : memref<125x80xi32, #tpu.memory_space<hbm>>) target(%arg7 : memref<125x80xi32, #tpu.memory_space<vmem>>) target_semaphore(%run_scoped3A : memref<!tpu.dma_semaphore, #tpu.memory_space<semaphore_mem>>)
      %dma_wait3A = arith.constant 0 : i32
      %dma_wait3A_22 = arith.constant 0 : i32
      %dma_wait3A_23 = tpu.memref_slice %arg3[%add3A, %dma_wait3A, %dma_wait3A_22] : memref<32x125x80xi32, #tpu.memory_space<hbm>> -> memref<1x125x80xi32, #tpu.memory_space<hbm>>
      %dma_wait3A_24 = tpu.memref_squeeze %dma_wait3A_23 : memref<1x125x80xi32, #tpu.memory_space<hbm>> -> memref<125x80xi32, #tpu.memory_space<hbm>>
      %dma_wait3A_25 = arith.constant 0 : i32
      %dma_wait3A_26 = arith.constant 0 : i32
      %dma_wait3A_27 = tpu.memref_slice %arg3[%add3A, %dma_wait3A_25, %dma_wait3A_26] : memref<32x125x80xi32, #tpu.memory_space<hbm>> -> memref<1x125x80xi32, #tpu.memory_space<hbm>>
      %dma_wait3A_28 = tpu.memref_squeeze %dma_wait3A_27 : memref<1x125x80xi32, #tpu.memory_space<hbm>> -> memref<125x80xi32, #tpu.memory_space<hbm>>
      tpu.wait_dma2 semaphore(%run_scoped3A : memref<!tpu.dma_semaphore, #tpu.memory_space<semaphore_mem>>) src(%dma_wait3A_28 : memref<125x80xi32, #tpu.memory_space<hbm>>) dst(%arg7 : memref<125x80xi32, #tpu.memory_space<vmem>>)
      tpu.yield
    }) : () -> ()
    "tpu.region"() ({
      %run_scoped3A = tpu.sem_alloc : memref<!tpu.dma_semaphore, #tpu.memory_space<semaphore_mem>>
      %dma_start3A = arith.constant 0 : i32
      %dma_start3A_15 = arith.constant 0 : i32
      %dma_start3A_16 = tpu.memref_slice %arg4[%add3A, %dma_start3A, %dma_start3A_15] : memref<32x125x80xi32, #tpu.memory_space<hbm>> -> memref<1x125x80xi32, #tpu.memory_space<hbm>>
      %dma_start3A_17 = tpu.memref_squeeze %dma_start3A_16 : memref<1x125x80xi32, #tpu.memory_space<hbm>> -> memref<125x80xi32, #tpu.memory_space<hbm>>
      %dma_start3A_18 = arith.constant 0 : i32
      %dma_start3A_19 = arith.constant 0 : i32
      %dma_start3A_20 = tpu.memref_slice %arg4[%add3A, %dma_start3A_18, %dma_start3A_19] : memref<32x125x80xi32, #tpu.memory_space<hbm>> -> memref<1x125x80xi32, #tpu.memory_space<hbm>>
      %dma_start3A_21 = tpu.memref_squeeze %dma_start3A_20 : memref<1x125x80xi32, #tpu.memory_space<hbm>> -> memref<125x80xi32, #tpu.memory_space<hbm>>
      tpu.enqueue_dma source(%dma_start3A_21 : memref<125x80xi32, #tpu.memory_space<hbm>>) target(%arg8 : memref<125x80xi32, #tpu.memory_space<vmem>>) target_semaphore(%run_scoped3A : memref<!tpu.dma_semaphore, #tpu.memory_space<semaphore_mem>>)
      %dma_wait3A = arith.constant 0 : i32
      %dma_wait3A_22 = arith.constant 0 : i32
      %dma_wait3A_23 = tpu.memref_slice %arg4[%add3A, %dma_wait3A, %dma_wait3A_22] : memref<32x125x80xi32, #tpu.memory_space<hbm>> -> memref<1x125x80xi32, #tpu.memory_space<hbm>>
      %dma_wait3A_24 = tpu.memref_squeeze %dma_wait3A_23 : memref<1x125x80xi32, #tpu.memory_space<hbm>> -> memref<125x80xi32, #tpu.memory_space<hbm>>
      %dma_wait3A_25 = arith.constant 0 : i32
      %dma_wait3A_26 = arith.constant 0 : i32
      %dma_wait3A_27 = tpu.memref_slice %arg4[%add3A, %dma_wait3A_25, %dma_wait3A_26] : memref<32x125x80xi32, #tpu.memory_space<hbm>> -> memref<1x125x80xi32, #tpu.memory_space<hbm>>
      %dma_wait3A_28 = tpu.memref_squeeze %dma_wait3A_27 : memref<1x125x80xi32, #tpu.memory_space<hbm>> -> memref<125x80xi32, #tpu.memory_space<hbm>>
      tpu.wait_dma2 semaphore(%run_scoped3A : memref<!tpu.dma_semaphore, #tpu.memory_space<semaphore_mem>>) src(%dma_wait3A_28 : memref<125x80xi32, #tpu.memory_space<hbm>>) dst(%arg8 : memref<125x80xi32, #tpu.memory_space<vmem>>)
      tpu.yield
    }) : () -> ()
    %barrier3A = arith.constant 0 : index
    tpu.barrier barrier_id(%barrier3A)
    %scan3A = arith.constant 0 : i32
    %scan3A_5 = arith.constant 0 : i32
    %scan3A_6 = arith.constant 125 : i32
    %scan3A_7 = arith.addi %scan3A_5, %scan3A_6 : i32
    %scan3A_8 = arith.constant 1 : i32
    scf.for %scan3A_15 = %scan3A_5 to %scan3A_7 step %scan3A_8  : i32 {
      %dma_start3A = arith.constant 0 : i32
      %dma_start3A_16 = tpu.memref_slice %arg7[%scan3A_15, %dma_start3A] : memref<125x80xi32, #tpu.memory_space<vmem>> -> memref<1x80xi32, #tpu.memory_space<vmem>>
      %dma_start3A_17 = tpu.memref_squeeze %dma_start3A_16 : memref<1x80xi32, #tpu.memory_space<vmem>> -> memref<80xi32, #tpu.memory_space<vmem>>
      %dma_start3A_18 = arith.constant 0 : i32
      %dma_start3A_19 = arith.constant 0 : i32
      %dma_start3A_20 = tpu.memref_slice %arg2[%dma_start3A_18, %dma_start3A_19] : memref<10000x128xf32, #tpu.memory_space<hbm>> -> memref<10000x128xf32, #tpu.memory_space<hbm>>
      tpu.enqueue_indirect_dma source(%dma_start3A_20 : memref<10000x128xf32, #tpu.memory_space<hbm>>) target(%arg9 : memref<80x128xf32, #tpu.memory_space<vmem>>) offsets(%dma_start3A_17 : memref<80xi32, #tpu.memory_space<vmem>>) semaphore(%arg11 : memref<!tpu.dma_semaphore, #tpu.memory_space<semaphore_mem>>)
      %dma_wait3A = arith.constant 0 : i32
      %dma_wait3A_21 = tpu.memref_slice %arg7[%scan3A_15, %dma_wait3A] : memref<125x80xi32, #tpu.memory_space<vmem>> -> memref<1x80xi32, #tpu.memory_space<vmem>>
      %dma_wait3A_22 = tpu.memref_squeeze %dma_wait3A_21 : memref<1x80xi32, #tpu.memory_space<vmem>> -> memref<80xi32, #tpu.memory_space<vmem>>
      %dma_wait3A_23 = arith.constant 0 : i32
      %dma_wait3A_24 = arith.constant 0 : i32
      %dma_wait3A_25 = tpu.memref_slice %arg2[%dma_wait3A_23, %dma_wait3A_24] : memref<10000x128xf32, #tpu.memory_space<hbm>> -> memref<10000x128xf32, #tpu.memory_space<hbm>>
      tpu.wait_indirect_dma semaphore(%arg11 : memref<!tpu.dma_semaphore, #tpu.memory_space<semaphore_mem>>) src(%dma_wait3A_25 : memref<10000x128xf32, #tpu.memory_space<hbm>>) dst(%arg9 : memref<80x128xf32, #tpu.memory_space<vmem>>)
      "tpu.region"() ({
        %run_scoped3A = tpu.sem_alloc : memref<!tpu.dma_semaphore, #tpu.memory_space<semaphore_mem>>
        %dma_start3A_26 = arith.constant 0 : i32
        %dma_start3A_27 = tpu.memref_slice %arg8[%scan3A_15, %dma_start3A_26] : memref<125x80xi32, #tpu.memory_space<vmem>> -> memref<1x80xi32, #tpu.memory_space<vmem>>
        %dma_start3A_28 = tpu.memref_squeeze %dma_start3A_27 : memref<1x80xi32, #tpu.memory_space<vmem>> -> memref<80xi32, #tpu.memory_space<vmem>>
        %dma_start3A_29 = arith.constant 0 : i32
        %dma_start3A_30 = arith.constant 0 : i32
        %dma_start3A_31 = tpu.memref_slice %arg10[%dma_start3A_29, %dma_start3A_30] : memref<10240x128xf32, #tpu.memory_space<vmem_shared>> -> memref<10240x128xf32, #tpu.memory_space<vmem_shared>>
        tpu.enqueue_indirect_dma source(%arg9 : memref<80x128xf32, #tpu.memory_space<vmem>>) target(%dma_start3A_31 : memref<10240x128xf32, #tpu.memory_space<vmem_shared>>) offsets(%dma_start3A_28 : memref<80xi32, #tpu.memory_space<vmem>>) semaphore(%run_scoped3A : memref<!tpu.dma_semaphore, #tpu.memory_space<semaphore_mem>>) {add = true}
        %dma_wait3A_32 = arith.constant 0 : i32
        %dma_wait3A_33 = tpu.memref_slice %arg8[%scan3A_15, %dma_wait3A_32] : memref<125x80xi32, #tpu.memory_space<vmem>> -> memref<1x80xi32, #tpu.memory_space<vmem>>
        %dma_wait3A_34 = tpu.memref_squeeze %dma_wait3A_33 : memref<1x80xi32, #tpu.memory_space<vmem>> -> memref<80xi32, #tpu.memory_space<vmem>>
        %dma_wait3A_35 = arith.constant 0 : i32
        %dma_wait3A_36 = arith.constant 0 : i32
        %dma_wait3A_37 = tpu.memref_slice %arg10[%dma_wait3A_35, %dma_wait3A_36] : memref<10240x128xf32, #tpu.memory_space<vmem_shared>> -> memref<10240x128xf32, #tpu.memory_space<vmem_shared>>
        tpu.wait_indirect_dma semaphore(%run_scoped3A : memref<!tpu.dma_semaphore, #tpu.memory_space<semaphore_mem>>) src(%arg9 : memref<80x128xf32, #tpu.memory_space<vmem>>) dst(%dma_wait3A_37 : memref<10240x128xf32, #tpu.memory_space<vmem_shared>>)
        tpu.yield
      }) : () -> ()
    }
    %scan3A_9 = arith.constant 125 : i32
    %barrier3A_10 = arith.constant 0 : index
    tpu.barrier barrier_id(%barrier3A_10)
    %mul3A_11 = arith.constant 640 : i32
    %mul3A_12 = arith.muli %arg1, %mul3A_11 : i32
    %mul3A_13 = arith.constant 640 : i32
    %mul3A_14 = arith.muli %arg1, %mul3A_13 : i32
    "tpu.region"() ({
      %run_scoped3A = tpu.sem_alloc : memref<!tpu.dma_semaphore, #tpu.memory_space<semaphore_mem>>
      %dma_start3A = arith.constant 0 : i32
      %dma_start3A_15 = tpu.memref_slice %arg6[%arg0, %mul3A_14, %dma_start3A] : memref<2x10240x128xf32, #tpu.memory_space<hbm>> -> memref<1x640x128xf32, #tpu.memory_space<hbm>>
      %dma_start3A_16 = tpu.memref_squeeze %dma_start3A_15 : memref<1x640x128xf32, #tpu.memory_space<hbm>> -> memref<640x128xf32, #tpu.memory_space<hbm>>
      %dma_start3A_17 = arith.constant 0 : i32
      %dma_start3A_18 = tpu.memref_slice %arg10[%mul3A_12, %dma_start3A_17] : memref<10240x128xf32, #tpu.memory_space<vmem_shared>> -> memref<640x128xf32, #tpu.memory_space<vmem_shared>>
      tpu.enqueue_dma source(%dma_start3A_18 : memref<640x128xf32, #tpu.memory_space<vmem_shared>>) target(%dma_start3A_16 : memref<640x128xf32, #tpu.memory_space<hbm>>) target_semaphore(%run_scoped3A : memref<!tpu.dma_semaphore, #tpu.memory_space<semaphore_mem>>)
      %dma_wait3A = arith.constant 0 : i32
      %dma_wait3A_19 = tpu.memref_slice %arg6[%arg0, %mul3A_14, %dma_wait3A] : memref<2x10240x128xf32, #tpu.memory_space<hbm>> -> memref<1x640x128xf32, #tpu.memory_space<hbm>>
      %dma_wait3A_20 = tpu.memref_squeeze %dma_wait3A_19 : memref<1x640x128xf32, #tpu.memory_space<hbm>> -> memref<640x128xf32, #tpu.memory_space<hbm>>
      %dma_wait3A_21 = arith.constant 0 : i32
      %dma_wait3A_22 = tpu.memref_slice %arg10[%mul3A_12, %dma_wait3A_21] : memref<10240x128xf32, #tpu.memory_space<vmem_shared>> -> memref<640x128xf32, #tpu.memory_space<vmem_shared>>
      tpu.wait_dma2 semaphore(%run_scoped3A : memref<!tpu.dma_semaphore, #tpu.memory_space<semaphore_mem>>) src(%dma_wait3A_22 : memref<640x128xf32, #tpu.memory_space<vmem_shared>>) dst(%dma_wait3A_20 : memref<640x128xf32, #tpu.memory_space<hbm>>)
      tpu.yield
    }) : () -> ()
    return
  }
}

#map = affine_map<(d0, d1) -> (0, 0)>
#map1 = affine_map<(d0, d1) -> (0, 0, 0)>
module attributes {stable_mosaic.version = 14 : i64} {
  func.func @_sc_agg_body(%arg0: i32, %arg1: i32, %arg2: memref<10000x128xf32, #tpu.memory_space<hbm>>, %arg3: memref<32x125x80xi32, #tpu.memory_space<hbm>>, %arg4: memref<32x125x80xi32, #tpu.memory_space<hbm>>, %arg5: memref<10240x128xf32, #tpu.memory_space<hbm>>, %arg6: memref<2x10240x128xf32, #tpu.memory_space<hbm>>, %arg7: memref<125x80xi32, #tpu.memory_space<vmem>>, %arg8: memref<125x80xi32, #tpu.memory_space<vmem>>, %arg9: memref<80x128xf32, #tpu.memory_space<vmem>>, %arg10: memref<10240x128xf32, #tpu.memory_space<vmem_shared>>, %arg11: memref<!tpu.dma_semaphore, #tpu.memory_space<semaphore_mem>>) attributes {dimension_semantics = [#tpu.dimension_semantics<core_parallel>, #tpu.dimension_semantics<subcore_parallel>], iteration_bounds = array<i64: 2, 16>, scalar_prefetch = 0 : i64, scratch_operands = 5 : i64, tpu.core_type = #tpu.core_type<sc_vector_subcore>, window_params = [{transform_indices = #map}, {transform_indices = #map1}, {transform_indices = #map1}, {transform_indices = #map}, {transform_indices = #map1}]} {
    %mul3A = arith.constant 2 : i32
    %mul3A_0 = arith.muli %arg1, %mul3A : i32
    %add3A = arith.addi %mul3A_0, %arg0 : i32
    %mul3A_1 = arith.constant 640 : i32
    %mul3A_2 = arith.muli %arg1, %mul3A_1 : i32
    %mul3A_3 = arith.constant 640 : i32
    %mul3A_4 = arith.muli %arg1, %mul3A_3 : i32
    "tpu.region"() ({
      %run_scoped3A = tpu.sem_alloc : memref<!tpu.dma_semaphore, #tpu.memory_space<semaphore_mem>>
      %dma_start3A = arith.constant 0 : i32
      %dma_start3A_15 = tpu.memref_slice %arg10[%mul3A_4, %dma_start3A] : memref<10240x128xf32, #tpu.memory_space<vmem_shared>> -> memref<640x128xf32, #tpu.memory_space<vmem_shared>>
      %dma_start3A_16 = arith.constant 0 : i32
      %dma_start3A_17 = tpu.memref_slice %arg5[%mul3A_2, %dma_start3A_16] : memref<10240x128xf32, #tpu.memory_space<hbm>> -> memref<640x128xf32, #tpu.memory_space<hbm>>
      tpu.enqueue_dma source(%dma_start3A_17 : memref<640x128xf32, #tpu.memory_space<hbm>>) target(%dma_start3A_15 : memref<640x128xf32, #tpu.memory_space<vmem_shared>>) target_semaphore(%run_scoped3A : memref<!tpu.dma_semaphore, #tpu.memory_space<semaphore_mem>>)
      %dma_wait3A = arith.constant 0 : i32
      %dma_wait3A_18 = tpu.memref_slice %arg10[%mul3A_4, %dma_wait3A] : memref<10240x128xf32, #tpu.memory_space<vmem_shared>> -> memref<640x128xf32, #tpu.memory_space<vmem_shared>>
      %dma_wait3A_19 = arith.constant 0 : i32
      %dma_wait3A_20 = tpu.memref_slice %arg5[%mul3A_2, %dma_wait3A_19] : memref<10240x128xf32, #tpu.memory_space<hbm>> -> memref<640x128xf32, #tpu.memory_space<hbm>>
      tpu.wait_dma2 semaphore(%run_scoped3A : memref<!tpu.dma_semaphore, #tpu.memory_space<semaphore_mem>>) src(%dma_wait3A_20 : memref<640x128xf32, #tpu.memory_space<hbm>>) dst(%dma_wait3A_18 : memref<640x128xf32, #tpu.memory_space<vmem_shared>>)
      tpu.yield
    }) : () -> ()
    "tpu.region"() ({
      %run_scoped3A = tpu.sem_alloc : memref<!tpu.dma_semaphore, #tpu.memory_space<semaphore_mem>>
      %dma_start3A = arith.constant 0 : i32
      %dma_start3A_15 = arith.constant 0 : i32
      %dma_start3A_16 = tpu.memref_slice %arg3[%add3A, %dma_start3A, %dma_start3A_15] : memref<32x125x80xi32, #tpu.memory_space<hbm>> -> memref<1x125x80xi32, #tpu.memory_space<hbm>>
      %dma_start3A_17 = tpu.memref_squeeze %dma_start3A_16 : memref<1x125x80xi32, #tpu.memory_space<hbm>> -> memref<125x80xi32, #tpu.memory_space<hbm>>
      %dma_start3A_18 = arith.constant 0 : i32
      %dma_start3A_19 = arith.constant 0 : i32
      %dma_start3A_20 = tpu.memref_slice %arg3[%add3A, %dma_start3A_18, %dma_start3A_19] : memref<32x125x80xi32, #tpu.memory_space<hbm>> -> memref<1x125x80xi32, #tpu.memory_space<hbm>>
      %dma_start3A_21 = tpu.memref_squeeze %dma_start3A_20 : memref<1x125x80xi32, #tpu.memory_space<hbm>> -> memref<125x80xi32, #tpu.memory_space<hbm>>
      tpu.enqueue_dma source(%dma_start3A_21 : memref<125x80xi32, #tpu.memory_space<hbm>>) target(%arg7 : memref<125x80xi32, #tpu.memory_space<vmem>>) target_semaphore(%run_scoped3A : memref<!tpu.dma_semaphore, #tpu.memory_space<semaphore_mem>>)
      %dma_wait3A = arith.constant 0 : i32
      %dma_wait3A_22 = arith.constant 0 : i32
      %dma_wait3A_23 = tpu.memref_slice %arg3[%add3A, %dma_wait3A, %dma_wait3A_22] : memref<32x125x80xi32, #tpu.memory_space<hbm>> -> memref<1x125x80xi32, #tpu.memory_space<hbm>>
      %dma_wait3A_24 = tpu.memref_squeeze %dma_wait3A_23 : memref<1x125x80xi32, #tpu.memory_space<hbm>> -> memref<125x80xi32, #tpu.memory_space<hbm>>
      %dma_wait3A_25 = arith.constant 0 : i32
      %dma_wait3A_26 = arith.constant 0 : i32
      %dma_wait3A_27 = tpu.memref_slice %arg3[%add3A, %dma_wait3A_25, %dma_wait3A_26] : memref<32x125x80xi32, #tpu.memory_space<hbm>> -> memref<1x125x80xi32, #tpu.memory_space<hbm>>
      %dma_wait3A_28 = tpu.memref_squeeze %dma_wait3A_27 : memref<1x125x80xi32, #tpu.memory_space<hbm>> -> memref<125x80xi32, #tpu.memory_space<hbm>>
      tpu.wait_dma2 semaphore(%run_scoped3A : memref<!tpu.dma_semaphore, #tpu.memory_space<semaphore_mem>>) src(%dma_wait3A_28 : memref<125x80xi32, #tpu.memory_space<hbm>>) dst(%arg7 : memref<125x80xi32, #tpu.memory_space<vmem>>)
      tpu.yield
    }) : () -> ()
    "tpu.region"() ({
      %run_scoped3A = tpu.sem_alloc : memref<!tpu.dma_semaphore, #tpu.memory_space<semaphore_mem>>
      %dma_start3A = arith.constant 0 : i32
      %dma_start3A_15 = arith.constant 0 : i32
      %dma_start3A_16 = tpu.memref_slice %arg4[%add3A, %dma_start3A, %dma_start3A_15] : memref<32x125x80xi32, #tpu.memory_space<hbm>> -> memref<1x125x80xi32, #tpu.memory_space<hbm>>
      %dma_start3A_17 = tpu.memref_squeeze %dma_start3A_16 : memref<1x125x80xi32, #tpu.memory_space<hbm>> -> memref<125x80xi32, #tpu.memory_space<hbm>>
      %dma_start3A_18 = arith.constant 0 : i32
      %dma_start3A_19 = arith.constant 0 : i32
      %dma_start3A_20 = tpu.memref_slice %arg4[%add3A, %dma_start3A_18, %dma_start3A_19] : memref<32x125x80xi32, #tpu.memory_space<hbm>> -> memref<1x125x80xi32, #tpu.memory_space<hbm>>
      %dma_start3A_21 = tpu.memref_squeeze %dma_start3A_20 : memref<1x125x80xi32, #tpu.memory_space<hbm>> -> memref<125x80xi32, #tpu.memory_space<hbm>>
      tpu.enqueue_dma source(%dma_start3A_21 : memref<125x80xi32, #tpu.memory_space<hbm>>) target(%arg8 : memref<125x80xi32, #tpu.memory_space<vmem>>) target_semaphore(%run_scoped3A : memref<!tpu.dma_semaphore, #tpu.memory_space<semaphore_mem>>)
      %dma_wait3A = arith.constant 0 : i32
      %dma_wait3A_22 = arith.constant 0 : i32
      %dma_wait3A_23 = tpu.memref_slice %arg4[%add3A, %dma_wait3A, %dma_wait3A_22] : memref<32x125x80xi32, #tpu.memory_space<hbm>> -> memref<1x125x80xi32, #tpu.memory_space<hbm>>
      %dma_wait3A_24 = tpu.memref_squeeze %dma_wait3A_23 : memref<1x125x80xi32, #tpu.memory_space<hbm>> -> memref<125x80xi32, #tpu.memory_space<hbm>>
      %dma_wait3A_25 = arith.constant 0 : i32
      %dma_wait3A_26 = arith.constant 0 : i32
      %dma_wait3A_27 = tpu.memref_slice %arg4[%add3A, %dma_wait3A_25, %dma_wait3A_26] : memref<32x125x80xi32, #tpu.memory_space<hbm>> -> memref<1x125x80xi32, #tpu.memory_space<hbm>>
      %dma_wait3A_28 = tpu.memref_squeeze %dma_wait3A_27 : memref<1x125x80xi32, #tpu.memory_space<hbm>> -> memref<125x80xi32, #tpu.memory_space<hbm>>
      tpu.wait_dma2 semaphore(%run_scoped3A : memref<!tpu.dma_semaphore, #tpu.memory_space<semaphore_mem>>) src(%dma_wait3A_28 : memref<125x80xi32, #tpu.memory_space<hbm>>) dst(%arg8 : memref<125x80xi32, #tpu.memory_space<vmem>>)
      tpu.yield
    }) : () -> ()
    %barrier3A = arith.constant 0 : index
    tpu.barrier barrier_id(%barrier3A)
    %scan3A = arith.constant 0 : i32
    %scan3A_5 = arith.constant 0 : i32
    %scan3A_6 = arith.constant 125 : i32
    %scan3A_7 = arith.addi %scan3A_5, %scan3A_6 : i32
    %scan3A_8 = arith.constant 1 : i32
    scf.for %scan3A_15 = %scan3A_5 to %scan3A_7 step %scan3A_8  : i32 {
      %dma_start3A = arith.constant 0 : i32
      %dma_start3A_16 = tpu.memref_slice %arg7[%scan3A_15, %dma_start3A] : memref<125x80xi32, #tpu.memory_space<vmem>> -> memref<1x80xi32, #tpu.memory_space<vmem>>
      %dma_start3A_17 = tpu.memref_squeeze %dma_start3A_16 : memref<1x80xi32, #tpu.memory_space<vmem>> -> memref<80xi32, #tpu.memory_space<vmem>>
      %dma_start3A_18 = arith.constant 0 : i32
      %dma_start3A_19 = arith.constant 0 : i32
      %dma_start3A_20 = tpu.memref_slice %arg2[%dma_start3A_18, %dma_start3A_19] : memref<10000x128xf32, #tpu.memory_space<hbm>> -> memref<10000x128xf32, #tpu.memory_space<hbm>>
      tpu.enqueue_indirect_dma source(%dma_start3A_20 : memref<10000x128xf32, #tpu.memory_space<hbm>>) target(%arg9 : memref<80x128xf32, #tpu.memory_space<vmem>>) offsets(%dma_start3A_17 : memref<80xi32, #tpu.memory_space<vmem>>) semaphore(%arg11 : memref<!tpu.dma_semaphore, #tpu.memory_space<semaphore_mem>>)
      %dma_wait3A = arith.constant 0 : i32
      %dma_wait3A_21 = tpu.memref_slice %arg7[%scan3A_15, %dma_wait3A] : memref<125x80xi32, #tpu.memory_space<vmem>> -> memref<1x80xi32, #tpu.memory_space<vmem>>
      %dma_wait3A_22 = tpu.memref_squeeze %dma_wait3A_21 : memref<1x80xi32, #tpu.memory_space<vmem>> -> memref<80xi32, #tpu.memory_space<vmem>>
      %dma_wait3A_23 = arith.constant 0 : i32
      %dma_wait3A_24 = arith.constant 0 : i32
      %dma_wait3A_25 = tpu.memref_slice %arg2[%dma_wait3A_23, %dma_wait3A_24] : memref<10000x128xf32, #tpu.memory_space<hbm>> -> memref<10000x128xf32, #tpu.memory_space<hbm>>
      tpu.wait_indirect_dma semaphore(%arg11 : memref<!tpu.dma_semaphore, #tpu.memory_space<semaphore_mem>>) src(%dma_wait3A_25 : memref<10000x128xf32, #tpu.memory_space<hbm>>) dst(%arg9 : memref<80x128xf32, #tpu.memory_space<vmem>>)
      "tpu.region"() ({
        %run_scoped3A = tpu.sem_alloc : memref<!tpu.dma_semaphore, #tpu.memory_space<semaphore_mem>>
        %dma_start3A_26 = arith.constant 0 : i32
        %dma_start3A_27 = tpu.memref_slice %arg8[%scan3A_15, %dma_start3A_26] : memref<125x80xi32, #tpu.memory_space<vmem>> -> memref<1x80xi32, #tpu.memory_space<vmem>>
        %dma_start3A_28 = tpu.memref_squeeze %dma_start3A_27 : memref<1x80xi32, #tpu.memory_space<vmem>> -> memref<80xi32, #tpu.memory_space<vmem>>
        %dma_start3A_29 = arith.constant 0 : i32
        %dma_start3A_30 = arith.constant 0 : i32
        %dma_start3A_31 = tpu.memref_slice %arg10[%dma_start3A_29, %dma_start3A_30] : memref<10240x128xf32, #tpu.memory_space<vmem_shared>> -> memref<10240x128xf32, #tpu.memory_space<vmem_shared>>
        tpu.enqueue_indirect_dma source(%arg9 : memref<80x128xf32, #tpu.memory_space<vmem>>) target(%dma_start3A_31 : memref<10240x128xf32, #tpu.memory_space<vmem_shared>>) offsets(%dma_start3A_28 : memref<80xi32, #tpu.memory_space<vmem>>) semaphore(%run_scoped3A : memref<!tpu.dma_semaphore, #tpu.memory_space<semaphore_mem>>) {add = true}
        %dma_wait3A_32 = arith.constant 0 : i32
        %dma_wait3A_33 = tpu.memref_slice %arg8[%scan3A_15, %dma_wait3A_32] : memref<125x80xi32, #tpu.memory_space<vmem>> -> memref<1x80xi32, #tpu.memory_space<vmem>>
        %dma_wait3A_34 = tpu.memref_squeeze %dma_wait3A_33 : memref<1x80xi32, #tpu.memory_space<vmem>> -> memref<80xi32, #tpu.memory_space<vmem>>
        %dma_wait3A_35 = arith.constant 0 : i32
        %dma_wait3A_36 = arith.constant 0 : i32
        %dma_wait3A_37 = tpu.memref_slice %arg10[%dma_wait3A_35, %dma_wait3A_36] : memref<10240x128xf32, #tpu.memory_space<vmem_shared>> -> memref<10240x128xf32, #tpu.memory_space<vmem_shared>>
        tpu.wait_indirect_dma semaphore(%run_scoped3A : memref<!tpu.dma_semaphore, #tpu.memory_space<semaphore_mem>>) src(%arg9 : memref<80x128xf32, #tpu.memory_space<vmem>>) dst(%dma_wait3A_37 : memref<10240x128xf32, #tpu.memory_space<vmem_shared>>)
        tpu.yield
      }) : () -> ()
    }
    %scan3A_9 = arith.constant 125 : i32
    %barrier3A_10 = arith.constant 0 : index
    tpu.barrier barrier_id(%barrier3A_10)
    %mul3A_11 = arith.constant 640 : i32
    %mul3A_12 = arith.muli %arg1, %mul3A_11 : i32
    %mul3A_13 = arith.constant 640 : i32
    %mul3A_14 = arith.muli %arg1, %mul3A_13 : i32
    "tpu.region"() ({
      %run_scoped3A = tpu.sem_alloc : memref<!tpu.dma_semaphore, #tpu.memory_space<semaphore_mem>>
      %dma_start3A = arith.constant 0 : i32
      %dma_start3A_15 = tpu.memref_slice %arg6[%arg0, %mul3A_14, %dma_start3A] : memref<2x10240x128xf32, #tpu.memory_space<hbm>> -> memref<1x640x128xf32, #tpu.memory_space<hbm>>
      %dma_start3A_16 = tpu.memref_squeeze %dma_start3A_15 : memref<1x640x128xf32, #tpu.memory_space<hbm>> -> memref<640x128xf32, #tpu.memory_space<hbm>>
      %dma_start3A_17 = arith.constant 0 : i32
      %dma_start3A_18 = tpu.memref_slice %arg10[%mul3A_12, %dma_start3A_17] : memref<10240x128xf32, #tpu.memory_space<vmem_shared>> -> memref<640x128xf32, #tpu.memory_space<vmem_shared>>
      tpu.enqueue_dma source(%dma_start3A_18 : memref<640x128xf32, #tpu.memory_space<vmem_shared>>) target(%dma_start3A_16 : memref<640x128xf32, #tpu.memory_space<hbm>>) target_semaphore(%run_scoped3A : memref<!tpu.dma_semaphore, #tpu.memory_space<semaphore_mem>>)
      %dma_wait3A = arith.constant 0 : i32
      %dma_wait3A_19 = tpu.memref_slice %arg6[%arg0, %mul3A_14, %dma_wait3A] : memref<2x10240x128xf32, #tpu.memory_space<hbm>> -> memref<1x640x128xf32, #tpu.memory_space<hbm>>
      %dma_wait3A_20 = tpu.memref_squeeze %dma_wait3A_19 : memref<1x640x128xf32, #tpu.memory_space<hbm>> -> memref<640x128xf32, #tpu.memory_space<hbm>>
      %dma_wait3A_21 = arith.constant 0 : i32
      %dma_wait3A_22 = tpu.memref_slice %arg10[%mul3A_12, %dma_wait3A_21] : memref<10240x128xf32, #tpu.memory_space<vmem_shared>> -> memref<640x128xf32, #tpu.memory_space<vmem_shared>>
      tpu.wait_dma2 semaphore(%run_scoped3A : memref<!tpu.dma_semaphore, #tpu.memory_space<semaphore_mem>>) src(%dma_wait3A_22 : memref<640x128xf32, #tpu.memory_space<vmem_shared>>) dst(%dma_wait3A_20 : memref<640x128xf32, #tpu.memory_space<hbm>>)
      tpu.yield
    }) : () -> ()
    return
  }
}

module attributes {stable_mosaic.version = 14 : i64} {
  func.func @_tc_mm_body(%arg0: i32, %arg1: memref<2000x128xf32, #tpu.memory_space<vmem>>, %arg2: memref<128x128xf32, #tpu.memory_space<vmem>>, %arg3: memref<2000x128xf32, #tpu.memory_space<vmem>>) attributes {dimension_semantics = [#tpu.dimension_semantics<arbitrary>], iteration_bounds = array<i64: 5>, scalar_prefetch = 0 : i64, scratch_operands = 0 : i64, tpu.core_type = #tpu.core_type<tc>, window_params = [{transform_indices = @transform_0, window_bounds = array<i64: 2000, 128>}, {pipeline_mode = #tpu.pipeline_mode<synchronous>, transform_indices = @transform_1, window_bounds = array<i64: 128, 128>}, {transform_indices = @transform_2, window_bounds = array<i64: 2000, 128>}]} {
    %get3A = arith.constant 0 : index
    %get3A_0 = arith.constant 0 : index
    %get3A_1 = vector.load %arg1[%get3A, %get3A_0] : memref<2000x128xf32, #tpu.memory_space<vmem>>, vector<2000x128xf32>
    %get3A_2 = arith.constant 0 : index
    %get3A_3 = arith.constant 0 : index
    %get3A_4 = vector.load %arg2[%get3A_2, %get3A_3] : memref<128x128xf32, #tpu.memory_space<vmem>>, vector<128x128xf32>
    %dot_general3A = arith.constant dense<0.000000e+00> : vector<2000x128xf32>
    %dot_general3A_5 = tpu.matmul %get3A_1, %get3A_4, %dot_general3A {dimension_numbers = #tpu.dot_dimension_numbers<[1], [0], [0], [1], [0, 0, 1, 1], [], []>, transpose_lhs_hint = false} : vector<2000x128xf32>, vector<128x128xf32>, vector<2000x128xf32> -> vector<2000x128xf32>
    %swap3A = arith.constant 0 : index
    %swap3A_6 = arith.constant 0 : index
    %swap3A_7 = vector.load %arg3[%swap3A, %swap3A_6] : memref<2000x128xf32, #tpu.memory_space<vmem>>, vector<2000x128xf32>
    tpu.vector_store %arg3[%swap3A, %swap3A_6], %dot_general3A_5 {strides = array<i32>} : memref<2000x128xf32, #tpu.memory_space<vmem>>, vector<2000x128xf32>,
    return
  }
  func.func @transform_0(%arg0: i32) -> (i32, i32) {
    %c0_i32 = arith.constant 0 : i32
    %c0_i32_0 = arith.constant 0 : i32
    return %arg0, %c0_i32 : i32, i32
  }
  func.func @transform_1(%arg0: i32) -> (i32, i32) {
    %c0_i32 = arith.constant 0 : i32
    %c0_i32_0 = arith.constant 0 : i32
    %c0_i32_1 = arith.constant 0 : i32
    return %c0_i32, %c0_i32_0 : i32, i32
  }
  func.func @transform_2(%arg0: i32) -> (i32, i32) {
    %c0_i32 = arith.constant 0 : i32
    %c0_i32_0 = arith.constant 0 : i32
    return %arg0, %c0_i32 : i32, i32
  }
}

module attributes {stable_mosaic.version = 14 : i64} {
  func.func @_tc_pre_body(%arg0: i32, %arg1: memref<2x2000x128xf32, #tpu.memory_space<vmem>>, %arg2: memref<2000x128xf32, #tpu.memory_space<vmem>>, %arg3: memref<2000x1xf32, #tpu.memory_space<vmem>>, %arg4: memref<2000x128xf32, #tpu.memory_space<vmem>>) attributes {dimension_semantics = [#tpu.dimension_semantics<arbitrary>], iteration_bounds = array<i64: 5>, scalar_prefetch = 0 : i64, scratch_operands = 0 : i64, tpu.core_type = #tpu.core_type<tc>, window_params = [{transform_indices = @transform_0, window_bounds = array<i64: 2, 2000, 128>}, {transform_indices = @transform_1, window_bounds = array<i64: 2000, 128>}, {transform_indices = @transform_2, window_bounds = array<i64: 2000, 1>}, {transform_indices = @transform_3, window_bounds = array<i64: 2000, 128>}]} {
    %get3A = arith.constant 0 : index
    %get3A_0 = arith.constant 0 : index
    %get3A_1 = arith.constant 0 : index
    %get3A_2 = vector.load %arg1[%get3A, %get3A_0, %get3A_1] : memref<2x2000x128xf32, #tpu.memory_space<vmem>>, vector<1x2000x1xf32>
    %get3A_3 = vector.shape_cast %get3A_2 : vector<1x2000x1xf32> to vector<2000x1xf32>
    %get3A_4 = arith.constant 1 : index
    %get3A_5 = arith.constant 0 : index
    %get3A_6 = arith.constant 0 : index
    %get3A_7 = vector.load %arg1[%get3A_4, %get3A_5, %get3A_6] : memref<2x2000x128xf32, #tpu.memory_space<vmem>>, vector<1x2000x1xf32>
    %get3A_8 = vector.shape_cast %get3A_7 : vector<1x2000x1xf32> to vector<2000x1xf32>
    %add3A = arith.addf %get3A_3, %get3A_8 : vector<2000x1xf32>
    %add3A_9 = arith.constant 1.000000e+00 : f32
    %add3A_10 = vector.broadcast %add3A_9 : f32 to vector<2000x1xf32>
    %add3A_11 = arith.addf %add3A, %add3A_10 : vector<2000x1xf32>
    %rsqrt3A = math.rsqrt %add3A_11 : vector<2000x1xf32>
    %swap3A = arith.constant 0 : index
    %swap3A_12 = arith.constant 0 : index
    %swap3A_13 = vector.load %arg3[%swap3A, %swap3A_12] : memref<2000x1xf32, #tpu.memory_space<vmem>>, vector<2000x1xf32>
    tpu.vector_store %arg3[%swap3A, %swap3A_12], %rsqrt3A {strides = array<i32>} : memref<2000x1xf32, #tpu.memory_space<vmem>>, vector<2000x1xf32>,
    %get3A_14 = arith.constant 0 : index
    %get3A_15 = arith.constant 0 : index
    %get3A_16 = vector.load %arg2[%get3A_14, %get3A_15] : memref<2000x128xf32, #tpu.memory_space<vmem>>, vector<2000x128xf32>
    %mul3A = vector.broadcast %rsqrt3A : vector<2000x1xf32> to vector<2000x128xf32>
    %mul3A_17 = arith.mulf %get3A_16, %mul3A : vector<2000x128xf32>
    %swap3A_18 = arith.constant 0 : index
    %swap3A_19 = arith.constant 0 : index
    %swap3A_20 = vector.load %arg4[%swap3A_18, %swap3A_19] : memref<2000x128xf32, #tpu.memory_space<vmem>>, vector<2000x128xf32>
    tpu.vector_store %arg4[%swap3A_18, %swap3A_19], %mul3A_17 {strides = array<i32>} : memref<2000x128xf32, #tpu.memory_space<vmem>>, vector<2000x128xf32>,
    return
  }
  func.func @transform_0(%arg0: i32) -> (i32, i32, i32) {
    %c0_i32 = arith.constant 0 : i32
    %c0_i32_0 = arith.constant 0 : i32
    %c0_i32_1 = arith.constant 0 : i32
    return %c0_i32, %arg0, %c0_i32_0 : i32, i32, i32
  }
  func.func @transform_1(%arg0: i32) -> (i32, i32) {
    %c0_i32 = arith.constant 0 : i32
    %c0_i32_0 = arith.constant 0 : i32
    return %arg0, %c0_i32 : i32, i32
  }
  func.func @transform_2(%arg0: i32) -> (i32, i32) {
    %c0_i32 = arith.constant 0 : i32
    %c0_i32_0 = arith.constant 0 : i32
    return %arg0, %c0_i32 : i32, i32
  }
  func.func @transform_3(%arg0: i32) -> (i32, i32) {
    %c0_i32 = arith.constant 0 : i32
    %c0_i32_0 = arith.constant 0 : i32
    return %arg0, %c0_i32 : i32, i32
  }
}

module attributes {stable_mosaic.version = 14 : i64} {
  func.func @_tc_mid_body(%arg0: i32, %arg1: memref<2000x1xf32, #tpu.memory_space<vmem>>, %arg2: memref<2000x128xf32, #tpu.memory_space<vmem>>, %arg3: memref<2x2000x128xf32, #tpu.memory_space<vmem>>, %arg4: memref<1x128xf32, #tpu.memory_space<vmem>>, %arg5: memref<2000x128xf32, #tpu.memory_space<vmem>>, %arg6: memref<128x128xf32, #tpu.memory_space<vmem>>, %arg7: memref<2000x128xf32, #tpu.memory_space<vmem>>, %arg8: memref<2000x128xf32, #tpu.memory_space<vmem>>, %arg9: memref<2000x128xf32, #tpu.memory_space<vmem>>) attributes {dimension_semantics = [#tpu.dimension_semantics<arbitrary>], iteration_bounds = array<i64: 5>, scalar_prefetch = 0 : i64, scratch_operands = 0 : i64, tpu.core_type = #tpu.core_type<tc>, window_params = [{transform_indices = @transform_0, window_bounds = array<i64: 2000, 1>}, {transform_indices = @transform_1, window_bounds = array<i64: 2000, 128>}, {transform_indices = @transform_2, window_bounds = array<i64: 2, 2000, 128>}, {pipeline_mode = #tpu.pipeline_mode<synchronous>, transform_indices = @transform_3, window_bounds = array<i64: 1, 128>}, {transform_indices = @transform_4, window_bounds = array<i64: 2000, 128>}, {pipeline_mode = #tpu.pipeline_mode<synchronous>, transform_indices = @transform_5, window_bounds = array<i64: 128, 128>}, {transform_indices = @transform_6, window_bounds = array<i64: 2000, 128>}, {transform_indices = @transform_7, window_bounds = array<i64: 2000, 128>}, {transform_indices = @transform_8, window_bounds = array<i64: 2000, 128>}]} {
    %get3A = arith.constant 0 : index
    %get3A_0 = arith.constant 0 : index
    %get3A_1 = vector.load %arg1[%get3A, %get3A_0] : memref<2000x1xf32, #tpu.memory_space<vmem>>, vector<2000x1xf32>
    %get3A_2 = arith.constant 0 : index
    %get3A_3 = arith.constant 0 : index
    %get3A_4 = arith.constant 0 : index
    %get3A_5 = vector.load %arg3[%get3A_2, %get3A_3, %get3A_4] : memref<2x2000x128xf32, #tpu.memory_space<vmem>>, vector<1x2000x128xf32>
    %get3A_6 = vector.shape_cast %get3A_5 : vector<1x2000x128xf32> to vector<2000x128xf32>
    %get3A_7 = arith.constant 1 : index
    %get3A_8 = arith.constant 0 : index
    %get3A_9 = arith.constant 0 : index
    %get3A_10 = vector.load %arg3[%get3A_7, %get3A_8, %get3A_9] : memref<2x2000x128xf32, #tpu.memory_space<vmem>>, vector<1x2000x128xf32>
    %get3A_11 = vector.shape_cast %get3A_10 : vector<1x2000x128xf32> to vector<2000x128xf32>
    %add3A = arith.addf %get3A_6, %get3A_11 : vector<2000x128xf32>
    %mul3A = vector.broadcast %get3A_1 : vector<2000x1xf32> to vector<2000x128xf32>
    %mul3A_12 = arith.mulf %mul3A, %add3A : vector<2000x128xf32>
    %mul3A_13 = arith.mulf %get3A_1, %get3A_1 : vector<2000x1xf32>
    %get3A_14 = arith.constant 0 : index
    %get3A_15 = arith.constant 0 : index
    %get3A_16 = vector.load %arg2[%get3A_14, %get3A_15] : memref<2000x128xf32, #tpu.memory_space<vmem>>, vector<2000x128xf32>
    %mul3A_17 = vector.broadcast %mul3A_13 : vector<2000x1xf32> to vector<2000x128xf32>
    %mul3A_18 = arith.mulf %mul3A_17, %get3A_16 : vector<2000x128xf32>
    %add3A_19 = arith.addf %mul3A_12, %mul3A_18 : vector<2000x128xf32>
    %get3A_20 = arith.constant 0 : index
    %get3A_21 = arith.constant 0 : index
    %get3A_22 = vector.load %arg4[%get3A_20, %get3A_21] : memref<1x128xf32, #tpu.memory_space<vmem>>, vector<1x128xf32>
    %add3A_23 = vector.broadcast %get3A_22 : vector<1x128xf32> to vector<2000x128xf32>
    %add3A_24 = arith.addf %add3A_19, %add3A_23 : vector<2000x128xf32>
    %max3A = arith.constant 0.000000e+00 : f32
    %max3A_25 = vector.broadcast %max3A : f32 to vector<2000x128xf32>
    %max3A_26 = arith.maximumf %add3A_24, %max3A_25 : vector<2000x128xf32>
    %get3A_27 = arith.constant 0 : index
    %get3A_28 = arith.constant 0 : index
    %get3A_29 = vector.load %arg6[%get3A_27, %get3A_28] : memref<128x128xf32, #tpu.memory_space<vmem>>, vector<128x128xf32>
    %dot_general3A = arith.constant dense<0.000000e+00> : vector<2000x128xf32>
    %dot_general3A_30 = tpu.matmul %max3A_26, %get3A_29, %dot_general3A {dimension_numbers = #tpu.dot_dimension_numbers<[1], [0], [0], [1], [0, 0, 1, 1], [], []>, transpose_lhs_hint = false} : vector<2000x128xf32>, vector<128x128xf32>, vector<2000x128xf32> -> vector<2000x128xf32>
    %swap3A = arith.constant 0 : index
    %swap3A_31 = arith.constant 0 : index
    %swap3A_32 = vector.load %arg7[%swap3A, %swap3A_31] : memref<2000x128xf32, #tpu.memory_space<vmem>>, vector<2000x128xf32>
    tpu.vector_store %arg7[%swap3A, %swap3A_31], %max3A_26 {strides = array<i32>} : memref<2000x128xf32, #tpu.memory_space<vmem>>, vector<2000x128xf32>,
    %swap3A_33 = arith.constant 0 : index
    %swap3A_34 = arith.constant 0 : index
    %swap3A_35 = vector.load %arg8[%swap3A_33, %swap3A_34] : memref<2000x128xf32, #tpu.memory_space<vmem>>, vector<2000x128xf32>
    tpu.vector_store %arg8[%swap3A_33, %swap3A_34], %dot_general3A_30 {strides = array<i32>} : memref<2000x128xf32, #tpu.memory_space<vmem>>, vector<2000x128xf32>,
    %mul3A_36 = vector.broadcast %get3A_1 : vector<2000x1xf32> to vector<2000x128xf32>
    %mul3A_37 = arith.mulf %dot_general3A_30, %mul3A_36 : vector<2000x128xf32>
    %swap3A_38 = arith.constant 0 : index
    %swap3A_39 = arith.constant 0 : index
    %swap3A_40 = vector.load %arg9[%swap3A_38, %swap3A_39] : memref<2000x128xf32, #tpu.memory_space<vmem>>, vector<2000x128xf32>
    tpu.vector_store %arg9[%swap3A_38, %swap3A_39], %mul3A_37 {strides = array<i32>} : memref<2000x128xf32, #tpu.memory_space<vmem>>, vector<2000x128xf32>,
    return
  }
  func.func @transform_0(%arg0: i32) -> (i32, i32) {
    %c0_i32 = arith.constant 0 : i32
    %c0_i32_0 = arith.constant 0 : i32
    return %arg0, %c0_i32 : i32, i32
  }
  func.func @transform_1(%arg0: i32) -> (i32, i32) {
    %c0_i32 = arith.constant 0 : i32
    %c0_i32_0 = arith.constant 0 : i32
    return %arg0, %c0_i32 : i32, i32
  }
  func.func @transform_2(%arg0: i32) -> (i32, i32, i32) {
    %c0_i32 = arith.constant 0 : i32
    %c0_i32_0 = arith.constant 0 : i32
    %c0_i32_1 = arith.constant 0 : i32
    return %c0_i32, %arg0, %c0_i32_0 : i32, i32, i32
  }
  func.func @transform_3(%arg0: i32) -> (i32, i32) {
    %c0_i32 = arith.constant 0 : i32
    %c0_i32_0 = arith.constant 0 : i32
    %c0_i32_1 = arith.constant 0 : i32
    return %c0_i32, %c0_i32_0 : i32, i32
  }
  func.func @transform_4(%arg0: i32) -> (i32, i32) {
    %c0_i32 = arith.constant 0 : i32
    %c0_i32_0 = arith.constant 0 : i32
    return %arg0, %c0_i32 : i32, i32
  }
  func.func @transform_5(%arg0: i32) -> (i32, i32) {
    %c0_i32 = arith.constant 0 : i32
    %c0_i32_0 = arith.constant 0 : i32
    %c0_i32_1 = arith.constant 0 : i32
    return %c0_i32, %c0_i32_0 : i32, i32
  }
  func.func @transform_6(%arg0: i32) -> (i32, i32) {
    %c0_i32 = arith.constant 0 : i32
    %c0_i32_0 = arith.constant 0 : i32
    return %arg0, %c0_i32 : i32, i32
  }
  func.func @transform_7(%arg0: i32) -> (i32, i32) {
    %c0_i32 = arith.constant 0 : i32
    %c0_i32_0 = arith.constant 0 : i32
    return %arg0, %c0_i32 : i32, i32
  }
  func.func @transform_8(%arg0: i32) -> (i32, i32) {
    %c0_i32 = arith.constant 0 : i32
    %c0_i32_0 = arith.constant 0 : i32
    return %arg0, %c0_i32 : i32, i32
  }
}

module attributes {stable_mosaic.version = 14 : i64} {
  func.func @_tc_mid_body(%arg0: i32, %arg1: memref<2000x1xf32, #tpu.memory_space<vmem>>, %arg2: memref<2000x128xf32, #tpu.memory_space<vmem>>, %arg3: memref<2x2000x128xf32, #tpu.memory_space<vmem>>, %arg4: memref<1x128xf32, #tpu.memory_space<vmem>>, %arg5: memref<2000x128xf32, #tpu.memory_space<vmem>>, %arg6: memref<128x128xf32, #tpu.memory_space<vmem>>, %arg7: memref<2000x128xf32, #tpu.memory_space<vmem>>, %arg8: memref<2000x128xf32, #tpu.memory_space<vmem>>, %arg9: memref<2000x128xf32, #tpu.memory_space<vmem>>) attributes {dimension_semantics = [#tpu.dimension_semantics<arbitrary>], iteration_bounds = array<i64: 5>, scalar_prefetch = 0 : i64, scratch_operands = 0 : i64, tpu.core_type = #tpu.core_type<tc>, window_params = [{transform_indices = @transform_0, window_bounds = array<i64: 2000, 1>}, {transform_indices = @transform_1, window_bounds = array<i64: 2000, 128>}, {transform_indices = @transform_2, window_bounds = array<i64: 2, 2000, 128>}, {pipeline_mode = #tpu.pipeline_mode<synchronous>, transform_indices = @transform_3, window_bounds = array<i64: 1, 128>}, {transform_indices = @transform_4, window_bounds = array<i64: 2000, 128>}, {pipeline_mode = #tpu.pipeline_mode<synchronous>, transform_indices = @transform_5, window_bounds = array<i64: 128, 128>}, {transform_indices = @transform_6, window_bounds = array<i64: 2000, 128>}, {transform_indices = @transform_7, window_bounds = array<i64: 2000, 128>}, {transform_indices = @transform_8, window_bounds = array<i64: 2000, 128>}]} {
    %get3A = arith.constant 0 : index
    %get3A_0 = arith.constant 0 : index
    %get3A_1 = vector.load %arg1[%get3A, %get3A_0] : memref<2000x1xf32, #tpu.memory_space<vmem>>, vector<2000x1xf32>
    %get3A_2 = arith.constant 0 : index
    %get3A_3 = arith.constant 0 : index
    %get3A_4 = arith.constant 0 : index
    %get3A_5 = vector.load %arg3[%get3A_2, %get3A_3, %get3A_4] : memref<2x2000x128xf32, #tpu.memory_space<vmem>>, vector<1x2000x128xf32>
    %get3A_6 = vector.shape_cast %get3A_5 : vector<1x2000x128xf32> to vector<2000x128xf32>
    %get3A_7 = arith.constant 1 : index
    %get3A_8 = arith.constant 0 : index
    %get3A_9 = arith.constant 0 : index
    %get3A_10 = vector.load %arg3[%get3A_7, %get3A_8, %get3A_9] : memref<2x2000x128xf32, #tpu.memory_space<vmem>>, vector<1x2000x128xf32>
    %get3A_11 = vector.shape_cast %get3A_10 : vector<1x2000x128xf32> to vector<2000x128xf32>
    %add3A = arith.addf %get3A_6, %get3A_11 : vector<2000x128xf32>
    %mul3A = vector.broadcast %get3A_1 : vector<2000x1xf32> to vector<2000x128xf32>
    %mul3A_12 = arith.mulf %mul3A, %add3A : vector<2000x128xf32>
    %mul3A_13 = arith.mulf %get3A_1, %get3A_1 : vector<2000x1xf32>
    %get3A_14 = arith.constant 0 : index
    %get3A_15 = arith.constant 0 : index
    %get3A_16 = vector.load %arg2[%get3A_14, %get3A_15] : memref<2000x128xf32, #tpu.memory_space<vmem>>, vector<2000x128xf32>
    %mul3A_17 = vector.broadcast %mul3A_13 : vector<2000x1xf32> to vector<2000x128xf32>
    %mul3A_18 = arith.mulf %mul3A_17, %get3A_16 : vector<2000x128xf32>
    %add3A_19 = arith.addf %mul3A_12, %mul3A_18 : vector<2000x128xf32>
    %get3A_20 = arith.constant 0 : index
    %get3A_21 = arith.constant 0 : index
    %get3A_22 = vector.load %arg4[%get3A_20, %get3A_21] : memref<1x128xf32, #tpu.memory_space<vmem>>, vector<1x128xf32>
    %add3A_23 = vector.broadcast %get3A_22 : vector<1x128xf32> to vector<2000x128xf32>
    %add3A_24 = arith.addf %add3A_19, %add3A_23 : vector<2000x128xf32>
    %max3A = arith.constant 0.000000e+00 : f32
    %max3A_25 = vector.broadcast %max3A : f32 to vector<2000x128xf32>
    %max3A_26 = arith.maximumf %add3A_24, %max3A_25 : vector<2000x128xf32>
    %get3A_27 = arith.constant 0 : index
    %get3A_28 = arith.constant 0 : index
    %get3A_29 = vector.load %arg5[%get3A_27, %get3A_28] : memref<2000x128xf32, #tpu.memory_space<vmem>>, vector<2000x128xf32>
    %add3A_30 = arith.addf %max3A_26, %get3A_29 : vector<2000x128xf32>
    %get3A_31 = arith.constant 0 : index
    %get3A_32 = arith.constant 0 : index
    %get3A_33 = vector.load %arg6[%get3A_31, %get3A_32] : memref<128x128xf32, #tpu.memory_space<vmem>>, vector<128x128xf32>
    %dot_general3A = arith.constant dense<0.000000e+00> : vector<2000x128xf32>
    %dot_general3A_34 = tpu.matmul %add3A_30, %get3A_33, %dot_general3A {dimension_numbers = #tpu.dot_dimension_numbers<[1], [0], [0], [1], [0, 0, 1, 1], [], []>, transpose_lhs_hint = false} : vector<2000x128xf32>, vector<128x128xf32>, vector<2000x128xf32> -> vector<2000x128xf32>
    %swap3A = arith.constant 0 : index
    %swap3A_35 = arith.constant 0 : index
    %swap3A_36 = vector.load %arg7[%swap3A, %swap3A_35] : memref<2000x128xf32, #tpu.memory_space<vmem>>, vector<2000x128xf32>
    tpu.vector_store %arg7[%swap3A, %swap3A_35], %add3A_30 {strides = array<i32>} : memref<2000x128xf32, #tpu.memory_space<vmem>>, vector<2000x128xf32>,
    %swap3A_37 = arith.constant 0 : index
    %swap3A_38 = arith.constant 0 : index
    %swap3A_39 = vector.load %arg8[%swap3A_37, %swap3A_38] : memref<2000x128xf32, #tpu.memory_space<vmem>>, vector<2000x128xf32>
    tpu.vector_store %arg8[%swap3A_37, %swap3A_38], %dot_general3A_34 {strides = array<i32>} : memref<2000x128xf32, #tpu.memory_space<vmem>>, vector<2000x128xf32>,
    %mul3A_40 = vector.broadcast %get3A_1 : vector<2000x1xf32> to vector<2000x128xf32>
    %mul3A_41 = arith.mulf %dot_general3A_34, %mul3A_40 : vector<2000x128xf32>
    %swap3A_42 = arith.constant 0 : index
    %swap3A_43 = arith.constant 0 : index
    %swap3A_44 = vector.load %arg9[%swap3A_42, %swap3A_43] : memref<2000x128xf32, #tpu.memory_space<vmem>>, vector<2000x128xf32>
    tpu.vector_store %arg9[%swap3A_42, %swap3A_43], %mul3A_41 {strides = array<i32>} : memref<2000x128xf32, #tpu.memory_space<vmem>>, vector<2000x128xf32>,
    return
  }
  func.func @transform_0(%arg0: i32) -> (i32, i32) {
    %c0_i32 = arith.constant 0 : i32
    %c0_i32_0 = arith.constant 0 : i32
    return %arg0, %c0_i32 : i32, i32
  }
  func.func @transform_1(%arg0: i32) -> (i32, i32) {
    %c0_i32 = arith.constant 0 : i32
    %c0_i32_0 = arith.constant 0 : i32
    return %arg0, %c0_i32 : i32, i32
  }
  func.func @transform_2(%arg0: i32) -> (i32, i32, i32) {
    %c0_i32 = arith.constant 0 : i32
    %c0_i32_0 = arith.constant 0 : i32
    %c0_i32_1 = arith.constant 0 : i32
    return %c0_i32, %arg0, %c0_i32_0 : i32, i32, i32
  }
  func.func @transform_3(%arg0: i32) -> (i32, i32) {
    %c0_i32 = arith.constant 0 : i32
    %c0_i32_0 = arith.constant 0 : i32
    %c0_i32_1 = arith.constant 0 : i32
    return %c0_i32, %c0_i32_0 : i32, i32
  }
  func.func @transform_4(%arg0: i32) -> (i32, i32) {
    %c0_i32 = arith.constant 0 : i32
    %c0_i32_0 = arith.constant 0 : i32
    return %arg0, %c0_i32 : i32, i32
  }
  func.func @transform_5(%arg0: i32) -> (i32, i32) {
    %c0_i32 = arith.constant 0 : i32
    %c0_i32_0 = arith.constant 0 : i32
    %c0_i32_1 = arith.constant 0 : i32
    return %c0_i32, %c0_i32_0 : i32, i32
  }
  func.func @transform_6(%arg0: i32) -> (i32, i32) {
    %c0_i32 = arith.constant 0 : i32
    %c0_i32_0 = arith.constant 0 : i32
    return %arg0, %c0_i32 : i32, i32
  }
  func.func @transform_7(%arg0: i32) -> (i32, i32) {
    %c0_i32 = arith.constant 0 : i32
    %c0_i32_0 = arith.constant 0 : i32
    return %arg0, %c0_i32 : i32, i32
  }
  func.func @transform_8(%arg0: i32) -> (i32, i32) {
    %c0_i32 = arith.constant 0 : i32
    %c0_i32_0 = arith.constant 0 : i32
    return %arg0, %c0_i32 : i32, i32
  }
}

module attributes {stable_mosaic.version = 14 : i64} {
  func.func @_tc_fin_body(%arg0: i32, %arg1: memref<2000x1xf32, #tpu.memory_space<vmem>>, %arg2: memref<2000x128xf32, #tpu.memory_space<vmem>>, %arg3: memref<2x2000x128xf32, #tpu.memory_space<vmem>>, %arg4: memref<1x128xf32, #tpu.memory_space<vmem>>, %arg5: memref<2000x128xf32, #tpu.memory_space<vmem>>, %arg6: memref<128x64xf32, #tpu.memory_space<vmem>>, %arg7: memref<1x64xf32, #tpu.memory_space<vmem>>, %arg8: memref<1x64xf32, #tpu.memory_space<vmem>>, %arg9: memref<1x64xf32, #tpu.memory_space<vmem>>, %arg10: memref<1x64xf32, #tpu.memory_space<vmem>>, %arg11: memref<1x64xf32, #tpu.memory_space<vmem>>, %arg12: memref<1x64xf32, #tpu.memory_space<vmem>>, %arg13: memref<1x1xf32, #tpu.memory_space<vmem>>, %arg14: memref<128x128xf32, #tpu.memory_space<vmem>>, %arg15: memref<1x128xf32, #tpu.memory_space<vmem>>, %arg16: memref<1x128xf32, #tpu.memory_space<vmem>>, %arg17: memref<1x128xf32, #tpu.memory_space<vmem>>, %arg18: memref<1x128xf32, #tpu.memory_space<vmem>>, %arg19: memref<1x128xf32, #tpu.memory_space<vmem>>, %arg20: memref<128x64xf32, #tpu.memory_space<vmem>>, %arg21: memref<1x64xf32, #tpu.memory_space<vmem>>, %arg22: memref<1x64xf32, #tpu.memory_space<vmem>>, %arg23: memref<1x64xf32, #tpu.memory_space<vmem>>, %arg24: memref<1x64xf32, #tpu.memory_space<vmem>>, %arg25: memref<1x64xf32, #tpu.memory_space<vmem>>, %arg26: memref<64x128xf32, #tpu.memory_space<vmem>>, %arg27: memref<1x128xf32, #tpu.memory_space<vmem>>, %arg28: memref<2000x128xf32, #tpu.memory_space<vmem>>) attributes {dimension_semantics = [#tpu.dimension_semantics<arbitrary>], iteration_bounds = array<i64: 5>, scalar_prefetch = 0 : i64, scratch_operands = 0 : i64, tpu.core_type = #tpu.core_type<tc>, window_params = [{transform_indices = @transform_0, window_bounds = array<i64: 2000, 1>}, {transform_indices = @transform_1, window_bounds = array<i64: 2000, 128>}, {transform_indices = @transform_2, window_bounds = array<i64: 2, 2000, 128>}, {pipeline_mode = #tpu.pipeline_mode<synchronous>, transform_indices = @transform_3, window_bounds = array<i64: 1, 128>}, {transform_indices = @transform_4, window_bounds = array<i64: 2000, 128>}, {pipeline_mode = #tpu.pipeline_mode<synchronous>, transform_indices = @transform_5, window_bounds = array<i64: 128, 64>}, {pipeline_mode = #tpu.pipeline_mode<synchronous>, transform_indices = @transform_6, window_bounds = array<i64: 1, 64>}, {pipeline_mode = #tpu.pipeline_mode<synchronous>, transform_indices = @transform_7, window_bounds = array<i64: 1, 64>}, {pipeline_mode = #tpu.pipeline_mode<synchronous>, transform_indices = @transform_8, window_bounds = array<i64: 1, 64>}, {pipeline_mode = #tpu.pipeline_mode<synchronous>, transform_indices = @transform_9, window_bounds = array<i64: 1, 64>}, {pipeline_mode = #tpu.pipeline_mode<synchronous>, transform_indices = @transform_10, window_bounds = array<i64: 1, 64>}, {pipeline_mode = #tpu.pipeline_mode<synchronous>, transform_indices = @transform_11, window_bounds = array<i64: 1, 64>}, {pipeline_mode = #tpu.pipeline_mode<synchronous>, transform_indices = @transform_12, window_bounds = array<i64: 1, 1>}, {pipeline_mode = #tpu.pipeline_mode<synchronous>, transform_indices = @transform_13, window_bounds = array<i64: 128, 128>}, {pipeline_mode = #tpu.pipeline_mode<synchronous>, transform_indices = @transform_14, window_bounds = array<i64: 1, 128>}, {pipeline_mode = #tpu.pipeline_mode<synchronous>, transform_indices = @transform_15, window_bounds = array<i64: 1, 128>}, {pipeline_mode = #tpu.pipeline_mode<synchronous>, transform_indices = @transform_16, window_bounds = array<i64: 1, 128>}, {pipeline_mode = #tpu.pipeline_mode<synchronous>, transform_indices = @transform_17, window_bounds = array<i64: 1, 128>}, {pipeline_mode = #tpu.pipeline_mode<synchronous>, transform_indices = @transform_18, window_bounds = array<i64: 1, 128>}, {pipeline_mode = #tpu.pipeline_mode<synchronous>, transform_indices = @transform_19, window_bounds = array<i64: 128, 64>}, {pipeline_mode = #tpu.pipeline_mode<synchronous>, transform_indices = @transform_20, window_bounds = array<i64: 1, 64>}, {pipeline_mode = #tpu.pipeline_mode<synchronous>, transform_indices = @transform_21, window_bounds = array<i64: 1, 64>}, {pipeline_mode = #tpu.pipeline_mode<synchronous>, transform_indices = @transform_22, window_bounds = array<i64: 1, 64>}, {pipeline_mode = #tpu.pipeline_mode<synchronous>, transform_indices = @transform_23, window_bounds = array<i64: 1, 64>}, {pipeline_mode = #tpu.pipeline_mode<synchronous>, transform_indices = @transform_24, window_bounds = array<i64: 1, 64>}, {pipeline_mode = #tpu.pipeline_mode<synchronous>, transform_indices = @transform_25, window_bounds = array<i64: 64, 128>}, {pipeline_mode = #tpu.pipeline_mode<synchronous>, transform_indices = @transform_26, window_bounds = array<i64: 1, 128>}, {transform_indices = @transform_27, window_bounds = array<i64: 2000, 128>}]} {
    %get3A = arith.constant 0 : index
    %get3A_0 = arith.constant 0 : index
    %get3A_1 = vector.load %arg1[%get3A, %get3A_0] : memref<2000x1xf32, #tpu.memory_space<vmem>>, vector<2000x1xf32>
    %get3A_2 = arith.constant 0 : index
    %get3A_3 = arith.constant 0 : index
    %get3A_4 = arith.constant 0 : index
    %get3A_5 = vector.load %arg3[%get3A_2, %get3A_3, %get3A_4] : memref<2x2000x128xf32, #tpu.memory_space<vmem>>, vector<1x2000x128xf32>
    %get3A_6 = vector.shape_cast %get3A_5 : vector<1x2000x128xf32> to vector<2000x128xf32>
    %get3A_7 = arith.constant 1 : index
    %get3A_8 = arith.constant 0 : index
    %get3A_9 = arith.constant 0 : index
    %get3A_10 = vector.load %arg3[%get3A_7, %get3A_8, %get3A_9] : memref<2x2000x128xf32, #tpu.memory_space<vmem>>, vector<1x2000x128xf32>
    %get3A_11 = vector.shape_cast %get3A_10 : vector<1x2000x128xf32> to vector<2000x128xf32>
    %add3A = arith.addf %get3A_6, %get3A_11 : vector<2000x128xf32>
    %mul3A = vector.broadcast %get3A_1 : vector<2000x1xf32> to vector<2000x128xf32>
    %mul3A_12 = arith.mulf %mul3A, %add3A : vector<2000x128xf32>
    %mul3A_13 = arith.mulf %get3A_1, %get3A_1 : vector<2000x1xf32>
    %get3A_14 = arith.constant 0 : index
    %get3A_15 = arith.constant 0 : index
    %get3A_16 = vector.load %arg2[%get3A_14, %get3A_15] : memref<2000x128xf32, #tpu.memory_space<vmem>>, vector<2000x128xf32>
    %mul3A_17 = vector.broadcast %mul3A_13 : vector<2000x1xf32> to vector<2000x128xf32>
    %mul3A_18 = arith.mulf %mul3A_17, %get3A_16 : vector<2000x128xf32>
    %add3A_19 = arith.addf %mul3A_12, %mul3A_18 : vector<2000x128xf32>
    %get3A_20 = arith.constant 0 : index
    %get3A_21 = arith.constant 0 : index
    %get3A_22 = vector.load %arg4[%get3A_20, %get3A_21] : memref<1x128xf32, #tpu.memory_space<vmem>>, vector<1x128xf32>
    %add3A_23 = vector.broadcast %get3A_22 : vector<1x128xf32> to vector<2000x128xf32>
    %add3A_24 = arith.addf %add3A_19, %add3A_23 : vector<2000x128xf32>
    %max3A = arith.constant 0.000000e+00 : f32
    %max3A_25 = vector.broadcast %max3A : f32 to vector<2000x128xf32>
    %max3A_26 = arith.maximumf %add3A_24, %max3A_25 : vector<2000x128xf32>
    %get3A_27 = arith.constant 0 : index
    %get3A_28 = arith.constant 0 : index
    %get3A_29 = vector.load %arg5[%get3A_27, %get3A_28] : memref<2000x128xf32, #tpu.memory_space<vmem>>, vector<2000x128xf32>
    %add3A_30 = arith.addf %max3A_26, %get3A_29 : vector<2000x128xf32>
    %get3A_31 = arith.constant 0 : index
    %get3A_32 = arith.constant 0 : index
    %get3A_33 = vector.load %arg6[%get3A_31, %get3A_32] : memref<128x64xf32, #tpu.memory_space<vmem>>, vector<128x64xf32>
    %dot_general3A = arith.constant dense<0.000000e+00> : vector<2000x64xf32>
    %dot_general3A_34 = tpu.matmul %add3A_30, %get3A_33, %dot_general3A {dimension_numbers = #tpu.dot_dimension_numbers<[1], [0], [0], [1], [0, 0, 1, 1], [], []>, transpose_lhs_hint = false} : vector<2000x128xf32>, vector<128x64xf32>, vector<2000x64xf32> -> vector<2000x64xf32>
    %get3A_35 = arith.constant 0 : index
    %get3A_36 = arith.constant 0 : index
    %get3A_37 = vector.load %arg7[%get3A_35, %get3A_36] : memref<1x64xf32, #tpu.memory_space<vmem>>, vector<1x64xf32>
    %add3A_38 = vector.broadcast %get3A_37 : vector<1x64xf32> to vector<2000x64xf32>
    %add3A_39 = arith.addf %dot_general3A_34, %add3A_38 : vector<2000x64xf32>
    %get3A_40 = arith.constant 0 : index
    %get3A_41 = arith.constant 0 : index
    %get3A_42 = vector.load %arg8[%get3A_40, %get3A_41] : memref<1x64xf32, #tpu.memory_space<vmem>>, vector<1x64xf32>
    %get3A_43 = arith.constant 0 : index
    %get3A_44 = arith.constant 0 : index
    %get3A_45 = vector.load %arg9[%get3A_43, %get3A_44] : memref<1x64xf32, #tpu.memory_space<vmem>>, vector<1x64xf32>
    %get3A_46 = arith.constant 0 : index
    %get3A_47 = arith.constant 0 : index
    %get3A_48 = vector.load %arg10[%get3A_46, %get3A_47] : memref<1x64xf32, #tpu.memory_space<vmem>>, vector<1x64xf32>
    %get3A_49 = arith.constant 0 : index
    %get3A_50 = arith.constant 0 : index
    %get3A_51 = vector.load %arg11[%get3A_49, %get3A_50] : memref<1x64xf32, #tpu.memory_space<vmem>>, vector<1x64xf32>
    %sub3A = vector.broadcast %get3A_48 : vector<1x64xf32> to vector<2000x64xf32>
    %sub3A_52 = arith.subf %add3A_39, %sub3A : vector<2000x64xf32>
    %add3A_53 = arith.constant 9.99999974E-6 : f32
    %add3A_54 = vector.broadcast %add3A_53 : f32 to vector<1x64xf32>
    %add3A_55 = arith.addf %get3A_51, %add3A_54 : vector<1x64xf32>
    %sqrt3A = math.sqrt %add3A_55 : vector<1x64xf32>
    %div3A = vector.broadcast %sqrt3A : vector<1x64xf32> to vector<2000x64xf32>
    %div3A_56 = arith.divf %sub3A_52, %div3A : vector<2000x64xf32>
    %mul3A_57 = vector.broadcast %get3A_42 : vector<1x64xf32> to vector<2000x64xf32>
    %mul3A_58 = arith.mulf %div3A_56, %mul3A_57 : vector<2000x64xf32>
    %add3A_59 = vector.broadcast %get3A_45 : vector<1x64xf32> to vector<2000x64xf32>
    %add3A_60 = arith.addf %mul3A_58, %add3A_59 : vector<2000x64xf32>
    %max3A_61 = arith.constant 0.000000e+00 : f32
    %max3A_62 = vector.broadcast %max3A_61 : f32 to vector<2000x64xf32>
    %max3A_63 = arith.maximumf %add3A_60, %max3A_62 : vector<2000x64xf32>
    %get3A_64 = arith.constant 0 : index
    %get3A_65 = arith.constant 0 : index
    %get3A_66 = vector.load %arg12[%get3A_64, %get3A_65] : memref<1x64xf32, #tpu.memory_space<vmem>>, vector<1x64xf32>
    %mul3A_67 = vector.broadcast %get3A_66 : vector<1x64xf32> to vector<2000x64xf32>
    %mul3A_68 = arith.mulf %max3A_63, %mul3A_67 : vector<2000x64xf32>
    %reduce_sum3A = arith.constant dense<0.000000e+00> : vector<2000xf32>
    %reduce_sum3A_69 = vector.multi_reduction <add>, %mul3A_68, %reduce_sum3A [1] : vector<2000x64xf32> to vector<2000xf32>
    %broadcast_in_dim3A = vector.shape_cast %reduce_sum3A_69 : vector<2000xf32> to vector<2000x1xf32>
    %get3A_70 = arith.constant 0 : index
    %get3A_71 = arith.constant 0 : index
    %get3A_72 = vector.load %arg13[%get3A_70, %get3A_71] : memref<1x1xf32, #tpu.memory_space<vmem>>, vector<1x1xf32>
    %add3A_73 = vector.broadcast %get3A_72 : vector<1x1xf32> to vector<2000x1xf32>
    %add3A_74 = arith.addf %broadcast_in_dim3A, %add3A_73 : vector<2000x1xf32>
    %max3A_75 = arith.constant 0.000000e+00 : f32
    %max3A_76 = vector.broadcast %max3A_75 : f32 to vector<2000x1xf32>
    %max3A_77 = arith.maximumf %add3A_74, %max3A_76 : vector<2000x1xf32>
    %abs3A = math.absf %add3A_74 : vector<2000x1xf32>
    %neg3A = arith.constant 0.000000e+00 : f32
    %neg3A_78 = vector.broadcast %neg3A : f32 to vector<2000x1xf32>
    %neg3A_79 = arith.subf %neg3A_78, %abs3A : vector<2000x1xf32>
    %exp3A = math.exp %neg3A_79 : vector<2000x1xf32>
    %log1p3A = math.log1p %exp3A : vector<2000x1xf32>
    %add3A_80 = arith.addf %max3A_77, %log1p3A : vector<2000x1xf32>
    %get3A_81 = arith.constant 0 : index
    %get3A_82 = arith.constant 0 : index
    %get3A_83 = vector.load %arg14[%get3A_81, %get3A_82] : memref<128x128xf32, #tpu.memory_space<vmem>>, vector<128x128xf32>
    %dot_general3A_84 = arith.constant dense<0.000000e+00> : vector<2000x128xf32>
    %dot_general3A_85 = tpu.matmul %add3A_30, %get3A_83, %dot_general3A_84 {dimension_numbers = #tpu.dot_dimension_numbers<[1], [0], [0], [1], [0, 0, 1, 1], [], []>, transpose_lhs_hint = false} : vector<2000x128xf32>, vector<128x128xf32>, vector<2000x128xf32> -> vector<2000x128xf32>
    %get3A_86 = arith.constant 0 : index
    %get3A_87 = arith.constant 0 : index
    %get3A_88 = vector.load %arg15[%get3A_86, %get3A_87] : memref<1x128xf32, #tpu.memory_space<vmem>>, vector<1x128xf32>
    %add3A_89 = vector.broadcast %get3A_88 : vector<1x128xf32> to vector<2000x128xf32>
    %add3A_90 = arith.addf %dot_general3A_85, %add3A_89 : vector<2000x128xf32>
    %get3A_91 = arith.constant 0 : index
    %get3A_92 = arith.constant 0 : index
    %get3A_93 = vector.load %arg16[%get3A_91, %get3A_92] : memref<1x128xf32, #tpu.memory_space<vmem>>, vector<1x128xf32>
    %get3A_94 = arith.constant 0 : index
    %get3A_95 = arith.constant 0 : index
    %get3A_96 = vector.load %arg17[%get3A_94, %get3A_95] : memref<1x128xf32, #tpu.memory_space<vmem>>, vector<1x128xf32>
    %get3A_97 = arith.constant 0 : index
    %get3A_98 = arith.constant 0 : index
    %get3A_99 = vector.load %arg18[%get3A_97, %get3A_98] : memref<1x128xf32, #tpu.memory_space<vmem>>, vector<1x128xf32>
    %get3A_100 = arith.constant 0 : index
    %get3A_101 = arith.constant 0 : index
    %get3A_102 = vector.load %arg19[%get3A_100, %get3A_101] : memref<1x128xf32, #tpu.memory_space<vmem>>, vector<1x128xf32>
    %sub3A_103 = vector.broadcast %get3A_99 : vector<1x128xf32> to vector<2000x128xf32>
    %sub3A_104 = arith.subf %add3A_90, %sub3A_103 : vector<2000x128xf32>
    %add3A_105 = arith.constant 9.99999974E-6 : f32
    %add3A_106 = vector.broadcast %add3A_105 : f32 to vector<1x128xf32>
    %add3A_107 = arith.addf %get3A_102, %add3A_106 : vector<1x128xf32>
    %sqrt3A_108 = math.sqrt %add3A_107 : vector<1x128xf32>
    %div3A_109 = vector.broadcast %sqrt3A_108 : vector<1x128xf32> to vector<2000x128xf32>
    %div3A_110 = arith.divf %sub3A_104, %div3A_109 : vector<2000x128xf32>
    %mul3A_111 = vector.broadcast %get3A_93 : vector<1x128xf32> to vector<2000x128xf32>
    %mul3A_112 = arith.mulf %div3A_110, %mul3A_111 : vector<2000x128xf32>
    %add3A_113 = vector.broadcast %get3A_96 : vector<1x128xf32> to vector<2000x128xf32>
    %add3A_114 = arith.addf %mul3A_112, %add3A_113 : vector<2000x128xf32>
    %max3A_115 = arith.constant 0.000000e+00 : f32
    %max3A_116 = vector.broadcast %max3A_115 : f32 to vector<2000x128xf32>
    %max3A_117 = arith.maximumf %add3A_114, %max3A_116 : vector<2000x128xf32>
    %get3A_118 = arith.constant 0 : index
    %get3A_119 = arith.constant 0 : index
    %get3A_120 = vector.load %arg20[%get3A_118, %get3A_119] : memref<128x64xf32, #tpu.memory_space<vmem>>, vector<128x64xf32>
    %dot_general3A_121 = arith.constant dense<0.000000e+00> : vector<2000x64xf32>
    %dot_general3A_122 = tpu.matmul %max3A_117, %get3A_120, %dot_general3A_121 {dimension_numbers = #tpu.dot_dimension_numbers<[1], [0], [0], [1], [0, 0, 1, 1], [], []>, transpose_lhs_hint = false} : vector<2000x128xf32>, vector<128x64xf32>, vector<2000x64xf32> -> vector<2000x64xf32>
    %get3A_123 = arith.constant 0 : index
    %get3A_124 = arith.constant 0 : index
    %get3A_125 = vector.load %arg21[%get3A_123, %get3A_124] : memref<1x64xf32, #tpu.memory_space<vmem>>, vector<1x64xf32>
    %add3A_126 = vector.broadcast %get3A_125 : vector<1x64xf32> to vector<2000x64xf32>
    %add3A_127 = arith.addf %dot_general3A_122, %add3A_126 : vector<2000x64xf32>
    %get3A_128 = arith.constant 0 : index
    %get3A_129 = arith.constant 0 : index
    %get3A_130 = vector.load %arg22[%get3A_128, %get3A_129] : memref<1x64xf32, #tpu.memory_space<vmem>>, vector<1x64xf32>
    %get3A_131 = arith.constant 0 : index
    %get3A_132 = arith.constant 0 : index
    %get3A_133 = vector.load %arg23[%get3A_131, %get3A_132] : memref<1x64xf32, #tpu.memory_space<vmem>>, vector<1x64xf32>
    %get3A_134 = arith.constant 0 : index
    %get3A_135 = arith.constant 0 : index
    %get3A_136 = vector.load %arg24[%get3A_134, %get3A_135] : memref<1x64xf32, #tpu.memory_space<vmem>>, vector<1x64xf32>
    %get3A_137 = arith.constant 0 : index
    %get3A_138 = arith.constant 0 : index
    %get3A_139 = vector.load %arg25[%get3A_137, %get3A_138] : memref<1x64xf32, #tpu.memory_space<vmem>>, vector<1x64xf32>
    %sub3A_140 = vector.broadcast %get3A_136 : vector<1x64xf32> to vector<2000x64xf32>
    %sub3A_141 = arith.subf %add3A_127, %sub3A_140 : vector<2000x64xf32>
    %add3A_142 = arith.constant 9.99999974E-6 : f32
    %add3A_143 = vector.broadcast %add3A_142 : f32 to vector<1x64xf32>
    %add3A_144 = arith.addf %get3A_139, %add3A_143 : vector<1x64xf32>
    %sqrt3A_145 = math.sqrt %add3A_144 : vector<1x64xf32>
    %div3A_146 = vector.broadcast %sqrt3A_145 : vector<1x64xf32> to vector<2000x64xf32>
    %div3A_147 = arith.divf %sub3A_141, %div3A_146 : vector<2000x64xf32>
    %mul3A_148 = vector.broadcast %get3A_130 : vector<1x64xf32> to vector<2000x64xf32>
    %mul3A_149 = arith.mulf %div3A_147, %mul3A_148 : vector<2000x64xf32>
    %add3A_150 = vector.broadcast %get3A_133 : vector<1x64xf32> to vector<2000x64xf32>
    %add3A_151 = arith.addf %mul3A_149, %add3A_150 : vector<2000x64xf32>
    %max3A_152 = arith.constant 0.000000e+00 : f32
    %max3A_153 = vector.broadcast %max3A_152 : f32 to vector<2000x64xf32>
    %max3A_154 = arith.maximumf %add3A_151, %max3A_153 : vector<2000x64xf32>
    %get3A_155 = arith.constant 0 : index
    %get3A_156 = arith.constant 0 : index
    %get3A_157 = vector.load %arg26[%get3A_155, %get3A_156] : memref<64x128xf32, #tpu.memory_space<vmem>>, vector<64x128xf32>
    %dot_general3A_158 = arith.constant dense<0.000000e+00> : vector<2000x128xf32>
    %dot_general3A_159 = tpu.matmul %max3A_154, %get3A_157, %dot_general3A_158 {dimension_numbers = #tpu.dot_dimension_numbers<[1], [0], [0], [1], [0, 0, 1, 1], [], []>, transpose_lhs_hint = false} : vector<2000x64xf32>, vector<64x128xf32>, vector<2000x128xf32> -> vector<2000x128xf32>
    %get3A_160 = arith.constant 0 : index
    %get3A_161 = arith.constant 0 : index
    %get3A_162 = vector.load %arg27[%get3A_160, %get3A_161] : memref<1x128xf32, #tpu.memory_space<vmem>>, vector<1x128xf32>
    %add3A_163 = vector.broadcast %get3A_162 : vector<1x128xf32> to vector<2000x128xf32>
    %add3A_164 = arith.addf %dot_general3A_159, %add3A_163 : vector<2000x128xf32>
    %mul3A_165 = arith.mulf %add3A_164, %add3A_164 : vector<2000x128xf32>
    %reduce_sum3A_166 = arith.constant dense<0.000000e+00> : vector<2000xf32>
    %reduce_sum3A_167 = vector.multi_reduction <add>, %mul3A_165, %reduce_sum3A_166 [1] : vector<2000x128xf32> to vector<2000xf32>
    %broadcast_in_dim3A_168 = vector.shape_cast %reduce_sum3A_167 : vector<2000xf32> to vector<2000x1xf32>
    %sqrt3A_169 = math.sqrt %broadcast_in_dim3A_168 : vector<2000x1xf32>
    %max3A_170 = arith.constant 9.99999996E-13 : f32
    %max3A_171 = vector.broadcast %max3A_170 : f32 to vector<2000x1xf32>
    %max3A_172 = arith.maximumf %sqrt3A_169, %max3A_171 : vector<2000x1xf32>
    %div3A_173 = vector.broadcast %max3A_172 : vector<2000x1xf32> to vector<2000x128xf32>
    %div3A_174 = arith.divf %add3A_164, %div3A_173 : vector<2000x128xf32>
    %mul3A_175 = vector.broadcast %add3A_80 : vector<2000x1xf32> to vector<2000x128xf32>
    %mul3A_176 = arith.mulf %div3A_174, %mul3A_175 : vector<2000x128xf32>
    %swap3A = arith.constant 0 : index
    %swap3A_177 = arith.constant 0 : index
    %swap3A_178 = vector.load %arg28[%swap3A, %swap3A_177] : memref<2000x128xf32, #tpu.memory_space<vmem>>, vector<2000x128xf32>
    tpu.vector_store %arg28[%swap3A, %swap3A_177], %mul3A_176 {strides = array<i32>} : memref<2000x128xf32, #tpu.memory_space<vmem>>, vector<2000x128xf32>,
    return
  }
  func.func @transform_0(%arg0: i32) -> (i32, i32) {
    %c0_i32 = arith.constant 0 : i32
    %c0_i32_0 = arith.constant 0 : i32
    return %arg0, %c0_i32 : i32, i32
  }
  func.func @transform_1(%arg0: i32) -> (i32, i32) {
    %c0_i32 = arith.constant 0 : i32
    %c0_i32_0 = arith.constant 0 : i32
    return %arg0, %c0_i32 : i32, i32
  }
  func.func @transform_2(%arg0: i32) -> (i32, i32, i32) {
    %c0_i32 = arith.constant 0 : i32
    %c0_i32_0 = arith.constant 0 : i32
    %c0_i32_1 = arith.constant 0 : i32
    return %c0_i32, %arg0, %c0_i32_0 : i32, i32, i32
  }
  func.func @transform_3(%arg0: i32) -> (i32, i32) {
    %c0_i32 = arith.constant 0 : i32
    %c0_i32_0 = arith.constant 0 : i32
    %c0_i32_1 = arith.constant 0 : i32
    return %c0_i32, %c0_i32_0 : i32, i32
  }
  func.func @transform_4(%arg0: i32) -> (i32, i32) {
    %c0_i32 = arith.constant 0 : i32
    %c0_i32_0 = arith.constant 0 : i32
    return %arg0, %c0_i32 : i32, i32
  }
  func.func @transform_5(%arg0: i32) -> (i32, i32) {
    %c0_i32 = arith.constant 0 : i32
    %c0_i32_0 = arith.constant 0 : i32
    %c0_i32_1 = arith.constant 0 : i32
    return %c0_i32, %c0_i32_0 : i32, i32
  }
  func.func @transform_6(%arg0: i32) -> (i32, i32) {
    %c0_i32 = arith.constant 0 : i32
    %c0_i32_0 = arith.constant 0 : i32
    %c0_i32_1 = arith.constant 0 : i32
    return %c0_i32, %c0_i32_0 : i32, i32
  }
  func.func @transform_7(%arg0: i32) -> (i32, i32) {
    %c0_i32 = arith.constant 0 : i32
    %c0_i32_0 = arith.constant 0 : i32
    %c0_i32_1 = arith.constant 0 : i32
    return %c0_i32, %c0_i32_0 : i32, i32
  }
  func.func @transform_8(%arg0: i32) -> (i32, i32) {
    %c0_i32 = arith.constant 0 : i32
    %c0_i32_0 = arith.constant 0 : i32
    %c0_i32_1 = arith.constant 0 : i32
    return %c0_i32, %c0_i32_0 : i32, i32
  }
  func.func @transform_9(%arg0: i32) -> (i32, i32) {
    %c0_i32 = arith.constant 0 : i32
    %c0_i32_0 = arith.constant 0 : i32
    %c0_i32_1 = arith.constant 0 : i32
    return %c0_i32, %c0_i32_0 : i32, i32
  }
  func.func @transform_10(%arg0: i32) -> (i32, i32) {
    %c0_i32 = arith.constant 0 : i32
    %c0_i32_0 = arith.constant 0 : i32
    %c0_i32_1 = arith.constant 0 : i32
    return %c0_i32, %c0_i32_0 : i32, i32
  }
  func.func @transform_11(%arg0: i32) -> (i32, i32) {
    %c0_i32 = arith.constant 0 : i32
    %c0_i32_0 = arith.constant 0 : i32
    %c0_i32_1 = arith.constant 0 : i32
    return %c0_i32, %c0_i32_0 : i32, i32
  }
  func.func @transform_12(%arg0: i32) -> (i32, i32) {
    %c0_i32 = arith.constant 0 : i32
    %c0_i32_0 = arith.constant 0 : i32
    %c0_i32_1 = arith.constant 0 : i32
    return %c0_i32, %c0_i32_0 : i32, i32
  }
  func.func @transform_13(%arg0: i32) -> (i32, i32) {
    %c0_i32 = arith.constant 0 : i32
    %c0_i32_0 = arith.constant 0 : i32
    %c0_i32_1 = arith.constant 0 : i32
    return %c0_i32, %c0_i32_0 : i32, i32
  }
  func.func @transform_14(%arg0: i32) -> (i32, i32) {
    %c0_i32 = arith.constant 0 : i32
    %c0_i32_0 = arith.constant 0 : i32
    %c0_i32_1 = arith.constant 0 : i32
    return %c0_i32, %c0_i32_0 : i32, i32
  }
  func.func @transform_15(%arg0: i32) -> (i32, i32) {
    %c0_i32 = arith.constant 0 : i32
    %c0_i32_0 = arith.constant 0 : i32
    %c0_i32_1 = arith.constant 0 : i32
    return %c0_i32, %c0_i32_0 : i32, i32
  }
  func.func @transform_16(%arg0: i32) -> (i32, i32) {
    %c0_i32 = arith.constant 0 : i32
    %c0_i32_0 = arith.constant 0 : i32
    %c0_i32_1 = arith.constant 0 : i32
    return %c0_i32, %c0_i32_0 : i32, i32
  }
  func.func @transform_17(%arg0: i32) -> (i32, i32) {
    %c0_i32 = arith.constant 0 : i32
    %c0_i32_0 = arith.constant 0 : i32
    %c0_i32_1 = arith.constant 0 : i32
    return %c0_i32, %c0_i32_0 : i32, i32
  }
  func.func @transform_18(%arg0: i32) -> (i32, i32) {
    %c0_i32 = arith.constant 0 : i32
    %c0_i32_0 = arith.constant 0 : i32
    %c0_i32_1 = arith.constant 0 : i32
    return %c0_i32, %c0_i32_0 : i32, i32
  }
  func.func @transform_19(%arg0: i32) -> (i32, i32) {
    %c0_i32 = arith.constant 0 : i32
    %c0_i32_0 = arith.constant 0 : i32
    %c0_i32_1 = arith.constant 0 : i32
    return %c0_i32, %c0_i32_0 : i32, i32
  }
  func.func @transform_20(%arg0: i32) -> (i32, i32) {
    %c0_i32 = arith.constant 0 : i32
    %c0_i32_0 = arith.constant 0 : i32
    %c0_i32_1 = arith.constant 0 : i32
    return %c0_i32, %c0_i32_0 : i32, i32
  }
  func.func @transform_21(%arg0: i32) -> (i32, i32) {
    %c0_i32 = arith.constant 0 : i32
    %c0_i32_0 = arith.constant 0 : i32
    %c0_i32_1 = arith.constant 0 : i32
    return %c0_i32, %c0_i32_0 : i32, i32
  }
  func.func @transform_22(%arg0: i32) -> (i32, i32) {
    %c0_i32 = arith.constant 0 : i32
    %c0_i32_0 = arith.constant 0 : i32
    %c0_i32_1 = arith.constant 0 : i32
    return %c0_i32, %c0_i32_0 : i32, i32
  }
  func.func @transform_23(%arg0: i32) -> (i32, i32) {
    %c0_i32 = arith.constant 0 : i32
    %c0_i32_0 = arith.constant 0 : i32
    %c0_i32_1 = arith.constant 0 : i32
    return %c0_i32, %c0_i32_0 : i32, i32
  }
  func.func @transform_24(%arg0: i32) -> (i32, i32) {
    %c0_i32 = arith.constant 0 : i32
    %c0_i32_0 = arith.constant 0 : i32
    %c0_i32_1 = arith.constant 0 : i32
    return %c0_i32, %c0_i32_0 : i32, i32
  }
  func.func @transform_25(%arg0: i32) -> (i32, i32) {
    %c0_i32 = arith.constant 0 : i32
    %c0_i32_0 = arith.constant 0 : i32
    %c0_i32_1 = arith.constant 0 : i32
    return %c0_i32, %c0_i32_0 : i32, i32
  }
  func.func @transform_26(%arg0: i32) -> (i32, i32) {
    %c0_i32 = arith.constant 0 : i32
    %c0_i32_0 = arith.constant 0 : i32
    %c0_i32_1 = arith.constant 0 : i32
    return %c0_i32, %c0_i32_0 : i32, i32
  }
  func.func @transform_27(%arg0: i32) -> (i32, i32) {
    %c0_i32 = arith.constant 0 : i32
    %c0_i32_0 = arith.constant 0 : i32
    return %arg0, %c0_i32 : i32, i32
  }
}

</mosaic_0001>

<sc_bundles>
// kernel: kernel.11.cloned.1.call-start
scs
__scs_entry_jumppad:
0x0: {  	(pc) =	sbr.rel $0x88, $3  }
0x1: {  	(tag) =	ssettag $0x0;
	lr =	simm.s32 $0x1  }
0x2: {  	[smem:$0x3F83] =	sst lr;
	_ =	strace $0xD0000000  }
0x3: {  	_ = 	snop  }
0x4: {  	_ = 	snop  }
0x5: {  	_ = 	snop  }
0x6: {  	_ = 	snop  }
0x7: {  	_ = 	snop  }
__scs_overlays_trampoline_lowered:
0x8: {  	[smem:$0x3F92] =	sst s0  }
0x9: {  	[smem:$0x3F93] =	sst s1  }
0xa: {  	[smem:$0x3F94] =	sst s2  }
0xb: {  	[smem:$0x3F95] =	sst s3  }
0xc: {  	[smem:$0x3F96] =	sst s4  }
0xd: {  	[smem:$0x3F97] =	sst s5  }
0xe: {  	[smem:$0x3F98] =	sst s6  }
0xf: {  	[smem:$0x3F99] =	sst s7  }
0x10: {  	[smem:$0x3F9A] =	sst s8  }
0x11: {  	[smem:$0x3F9B] =	sst s9;
	s0 =	simm.s32 @!p0 $0x0  }
0x12: {  	s1 =	sld [smem:$0x3F81];
	s0 =	simm.s32 @p0 $0x1  }
0x13: {  	[smem:$0x3F9C] =	sst s0;
	s0 =	simm.s32 @!p1 $0x0  }
0x14: {  	s2 =	sld [smem:$0x3F80];
	s0 =	simm.s32 @p1 $0x1  }
0x15: {  	[smem:$0x3F9D] =	sst s0;
	s0 =	simm.s32 @!p2 $0x0  }
0x16: {  	s3 =	sld [smem:$0x3FDB];
	s0 =	simm.s32 @p2 $0x1  }
0x17: {  	s4 =	simm.s32 $0x1BF5;
	[smem:$0x3F9F] =	sst s0  }
0x18: {  	s0 =	sld [smem:$0x3F82];
	_ =	swait.ge [sflag:s4], $0x0  }
0x19: {  	s7 =	sld [smem:$0x3F83]  }
0x1a: {  	s8 =	sadd.s32 $0xFFFFE003, lr  }
0x1b: {  	s9 =	sadd.s32 $0xFFFFFEF7, lr;
	s5 =	simm.s32 $0xFFFFFFFF;
	p2 =	slt.u32 s8, $0xFFFFF086  }
0x1c: {  	p1 =	slt.u32 s9, $0xF7A;
	s5 =	simm.s32 @!p2 $0x0  }
0x1d: {  	s5 =	simm.s32 @p1 $0x1;
	p0 =	seq.s32 s7, s2  }
0x1e: {  	s7 =	smul.u32 @!p0 $0xF7A, s2;
	p2 =	seq.s32 @!p0 s5, $0x0  }
0x1f: {  	s9 =	smul.u32 $0xF7A, s1;
	s8 =	simm.s32 @!p0 $0x1BF5;
	p2 =	por !p2, p0  }
0x20: {  	[sflag:s8] =	ssyncset.s32 @!p0 $0xFFFFF086;
	s6 =	sadd.s32 @!p0 s3, s7;
	s7 =	simm.s32 @!p0 $0x108  }
0x21: {  	s3 =	sadd.s32 s3, s9;
	s6 =	sadd.s32 @!p0 $0x88, s6;
	s7 =	simm.s32 @p2 $0x1082  }
0x22: {  	[simem:s7], [sflag:s8] =	dma.local @!p0 [hbm:s6], $0xF7A  }
0x23: {  	s9 =	sor.u32 $0xD0000000, s2;
	s6 =	simm.s32 $0x108;
	_ =	swait.ge @!p0 [sflag:s8], $0x0  }
0x24: {  	s3 =	sadd.s32 $0x88, s3;
	s6 =	simm.s32 @!p1 $0x1082;
	[sflag:s4] =	ssyncset.s32 $0xFFFFF086  }
0x25: {  	[simem:s6], [sflag:s4] =	dma.local [hbm:s3], $0xF7A  }
0x26: {  	[smem:$0x3F83] =	sst s1;
	(tag) =	ssettag s2;
	_ =	strace s9  }
0x27: {  	s1 =	sld [smem:$0x3F93]  }
0x28: {  	s2 =	sld [smem:$0x3F94]  }
0x29: {  	s4 =	sld [smem:$0x3F96]  }
0x2a: {  	p0 =	seq.s32 s5, $0x0;
	s5 =	sld [smem:$0x3F97]  }
0x2b: {  	s6 =	sld [smem:$0x3F98]  }
0x2c: {  	s7 =	sld [smem:$0x3F99]  }
0x2d: {  	s3 =	simm.s32 $0x108;
	s8 =	sld [smem:$0x3F9A]  }
0x2e: {  	s3 =	simm.s32 @!p0 $0x1082;
	s9 =	sld [smem:$0x3F9B]  }
0x2f: {  	lr =	sadd.s32 s0, s3;
	s0 =	sld [smem:$0x3F92]  }
0x30: {  	s3 =	sld [smem:$0x3F95]  }
0x31: {  	[smem:$0x3F9E] =	sst s10  }
0x32: {  	s10 =	sld [smem:$0x3F9C];
	_ =	sdelay $0x3  }
0x33: {  	p0 =	seq.s32 s10, $0x1;
	s10 =	sld [smem:$0x3F9E];
	_ =	sdelay $0x3  }
0x34: {  	[smem:$0x3F9E] =	sst s10  }
0x35: {  	s10 =	sld [smem:$0x3F9D];
	_ =	sdelay $0x3  }
0x36: {  	p1 =	seq.s32 s10, $0x1;
	s10 =	sld [smem:$0x3F9E];
	_ =	sdelay $0x3  }
0x37: {  	[smem:$0x3F9E] =	sst s10  }
0x38: {  	s10 =	sld [smem:$0x3F9F]  }
0x39: {  	_ = 	snop;
	(pc) =	sbr.ind lr, $3  }
0x3a: {  	_ = 	snop  }
0x3b: {  	_ = 	snop  }
0x3c: {  	p2 =	seq.s32 s10, $0x1;
	s10 =	sld [smem:$0x3F9E]  }
0x3d: {  	_ =	shalt  }
0x3e: {  	_ =	shalt  }
0x3f: {  	_ =	shalt  }
0x40: {  	_ =	shalt  }
0x41: {  	_ =	shalt  }
0x42: {  	_ =	shalt  }
0x43: {  	_ =	shalt  }
0x44: {  	_ =	shalt  }
0x45: {  	_ =	shalt  }
0x46: {  	_ =	shalt  }
0x47: {  	_ =	shalt  }
0x48: {  	_ =	shalt  }
0x49: {  	_ =	shalt  }
0x4a: {  	_ =	shalt  }
0x4b: {  	_ =	shalt  }
0x4c: {  	_ =	shalt  }
0x4d: {  	_ =	shalt  }
0x4e: {  	_ =	shalt  }
0x4f: {  	_ =	shalt  }
0x50: {  	_ =	shalt  }
0x51: {  	_ =	shalt  }
0x52: {  	_ =	shalt  }
0x53: {  	_ =	shalt  }
0x54: {  	_ =	shalt  }
0x55: {  	_ =	shalt  }
0x56: {  	_ =	shalt  }
0x57: {  	_ =	shalt  }
0x58: {  	_ =	shalt  }
0x59: {  	_ =	shalt  }
0x5a: {  	_ =	shalt  }
0x5b: {  	_ =	shalt  }
0x5c: {  	_ =	shalt  }
0x5d: {  	_ =	shalt  }
0x5e: {  	_ =	shalt  }
0x5f: {  	_ =	shalt  }
0x60: {  	_ =	shalt  }
0x61: {  	_ =	shalt  }
0x62: {  	_ =	shalt  }
0x63: {  	_ =	shalt  }
0x64: {  	_ =	shalt  }
0x65: {  	_ =	shalt  }
0x66: {  	_ =	shalt  }
0x67: {  	_ =	shalt  }
0x68: {  	_ =	shalt  }
0x69: {  	_ =	shalt  }
0x6a: {  	_ =	shalt  }
0x6b: {  	_ =	shalt  }
0x6c: {  	_ =	shalt  }
0x6d: {  	_ =	shalt  }
0x6e: {  	_ =	shalt  }
0x6f: {  	_ =	shalt  }
0x70: {  	_ =	shalt  }
0x71: {  	_ =	shalt  }
0x72: {  	_ =	shalt  }
0x73: {  	_ =	shalt  }
0x74: {  	_ =	shalt  }
0x75: {  	_ =	shalt  }
0x76: {  	_ =	shalt  }
0x77: {  	_ =	shalt  }
0x78: {  	_ =	shalt  }
0x79: {  	_ =	shalt  }
0x7a: {  	_ =	shalt  }
0x7b: {  	_ =	shalt  }
0x7c: {  	_ =	shalt  }
0x7d: {  	_ =	shalt  }
0x7e: {  	_ =	shalt  }
0x7f: {  	_ =	shalt  }
0x80: {  	_ =	shalt  }
0x81: {  	_ =	shalt  }
0x82: {  	_ =	shalt  }
0x83: {  	_ =	shalt  }
0x84: {  	_ =	shalt  }
0x85: {  	_ =	shalt  }
0x86: {  	_ =	shalt  }
0x87: {  	_ =	shalt  }
.Lfunc_end0:
.L_simem_size_0:
called_computation_lowered:
.L_overlay_start_0:
0x88: {  	s2 =	sld [smem:$0x3FD9]  }
0x89: {  	s3 =	sld [smem:$0x3FFE];
	_ =	sdelay $0x1  }
0x8a: {  	s1 =	srdreg.scid  }
0x8b: {  	s0 =	sand.u32 $0x1, s1  }
0x8c: {  	s17 =	sshll.u32 s0, $0xA;
	s2 =	sadd.s32 s3, s2  }
0x8d: {  	s2 =	sadd.s32 s2, s17  }
0x8e: {  	[smem:$0x3FAA] =	sst s2  }
0x8f: {  	_ = 	snop  }
0x90: {  	s2 =	sld [smem:$0x3FD0];
	(tm) =	ssettm $0x1  }
0x91: {  	s18 =	sld [smem:$0x3FFB];
	_ =	sdelay $0x3  }
0x92: {  	_ =	strace s18  }
0x93: {  	s3 =	sld [smem:$0x3FFC];
	_ =	sdelay $0x3  }
0x94: {  	_ =	strace s3  }
0x95: {  	s3 =	sld [smem:$0x3FFD];
	_ =	sdelay $0x3  }
0x96: {  	_ =	strace s3  }
0x97: {  	_ =	strace $0x8FFFFFFF  }
0x98: {  	s19 =	sld [smem:$0x3FDB];
	_ =	sdelay $0x1  }
0x99: {  	s4 =	simm.s32 $_scs_section_size  }
0x9a: {  	s5 =	simm.s32 $_size__tile_overlayer_lowered;
	s6 =	simm.s32 $_tile_overlayer_lowered  }
0x9b: {  	s22 =	simm.s32 $0x1BFF;
	s21 =	sshll.u32 s6, $0x1;
	s3 =	sadd.s32 s4, s19  }
0x9c: {  	s7 =	simm.s32 $0x0;
	s20 =	sshll.u32 s5, $0x1;
	s5 =	sadd.s32 s21, s3  }
0x9d: {  	[timem:s7], [sflag:s22] =	dma.local [hbm:s5], s20  }
0x9e: {  	_ =	swait.ge [sflag:s22], s20  }
0x9f: {  	s4 =	ssub.s32 $0x0, s20;
	[sflag:s22] =	ssyncset.done $0x0  }
0xa0: {  	[sflag:s22] =	ssyncadd.s32 s4;
	_ =	sdelay $0x1  }
0xa1: {  	s23 =	simm.s32 $0x1B8B  }
0xa2: {  	_ =	swait.ge [sflag:s23], $0x1  }
0xa3: {  	[sflag:s23] =	ssyncset.done $0x0  }
0xa4: {  	s25 =	simm.s32 $0x1B8E;
	s24 =	sld [smem:$0x3FFE];
	[sflag:s23] =	ssyncadd.s32 $0xFFFFFFFF  }
0xa5: {  	s26 =	simm.s32 $execute0_lowered;
	[smem:$0x3FD2] =	sst s25  }
0xa6: {  	s5 =	sshll.u32 s26, $0x1;
	_ =	strace $0x80000046;
	[dreg:$0x1] =	wrdreg $0xFFFFFFFF  }
0xa7: {  	s28 =	simm.s32 $_size_execute0_lowered;
	s3 =	sadd.s32 s3, s5;
	[dreg:$0x0] =	wrdreg $0x0  }
0xa8: {  	s5 =	sshll.u32 s28, $0x1;
	[dreg:$0x2] =	wrdreg s3  }
0xa9: {  	[dreg:$0x3] =	wrdreg s5  }
0xaa: {  	[dreg:$0x4] =	wrdreg $0xC0  }
0xab: {  	_ =	task [dreg:s7], $0x5FFFF  }
0xac: {  	[dreg:$0x1] =	wrdreg $0xFFFFFFFF  }
0xad: {  	[dreg:$0x0] =	wrdreg $0x60  }
0xae: {  	[dreg:$0x2] =	wrdreg s24  }
0xaf: {  	[dreg:$0x3] =	wrdreg s2  }
0xb0: {  	[dreg:$0x4] =	wrdreg $0x68000  }
0xb1: {  	[dreg:$0x5] =	wrdreg $0x9  }
0xb2: {  	_ =	task.clear_ibuf [dreg:s7], $0x6FFFF;
	_ =	strace $0x90000046  }
0xb3: {  	s29 =	simm.s32 $0x9;
	_ =	strace $0x80000048  }
0xb4: {  	_ =	swait.ge [sflag:s29], $0x1  }
0xb5: {  	[sflag:s29] =	ssyncadd.s32 $0xFFFFFFFF  }
0xb6: {  	_ =	strace $0x90000048  }
0xb7: {  	_ =	sfence  }
0xb8: {  	s30 =	sld [smem:$0x0];
	_ =	sdelay $0x2  }
0xb9: {  	s31 =	sshll.u32 s1, $0xD;
	s1 =	sshrl.u32 s1, $0x2  }
0xba: {  	s3 =	sand.u32 $0x4000, s31;
	s1 =	sadd.s32 s1, s30  }
0xbb: {  	s0 =	sor.u32 s3, s0;
	s1 =	sshll.u32 s1, $0x11  }
0xbc: {  	s0 =	sor.u32 s1, s0  }
0xbd: {  	s0 =	sadd.s32 $0x8F2B, s0  }
0xbe: {  	[sflag:s0] =	ssyncadd.remote.s32 $0x1  }
0xbf: {  	_ =	sfence.sel $0xFFFF  }
0xc0: {  	[dreg:$0x0] =	wrdreg $0xFFFFFFFF;
	(pc) =	sbr.abs _section_cstart, $3  }
0xc1: {  	[dreg:$0x1] =	wrdreg $0xFFFFFFFF  }
0xc2: {  	_ =	task.clear_ibuf [dreg:s7], $0x2FFFF;
	_ =	strace $0x9FFFFFFF  }
0xc3: {  	(tm) =	ssettm $0x7FFFFFFF  }
tec
execute0_lowered:
.L_overlay_start_1:
0x0: {  	(tag) =	ssettag $0x1  }
0x1: {  	s5 =	rddreg [dreg:$0x0]  }
0x2: {  	s2 =	rddreg [dreg:$0x1]  }
0x3: {  	s3 =	rddreg [dreg:$0x2]  }
0x4: {  	s0 =	rddreg [dreg:$0x3]  }
0x5: {  	s6 =	srdreg.scid;
	s1 =	stileid.u32  }
0x6: {  	s4 =	simm.s32 $0x0;
	s14 =	simm.s32 $0x1;
	s15 =	simm.s32 $0x0  }
0x7: {  	s6 =	sand.u32 $0x1, s6;
	s7 =	smul.u32 $0x14000, s1;
	[smem:$0x7FF] =	sst s4  }
0x8: {  	s28 =	smul.u32 $0x50000, s1;
	s30 =	sshll.u32 s1, $0x6;
	s31 =	sshll.u32 s1, $0xC  }
0x9: {  	s8 =	sshll.u32 s6, $0xB;
	s9 =	smul.u32 $0x140000, s6;
	_ =	strace $0x80000047  }
0xa: {  	s6 =	ssub.s32 $0x2, s6;
	s8 =	sadd.s32 s8, s5;
	s10 =	sshrl.u32 s7, $0x3  }
0xb: {  	s11 =	sshrl.u32 s6, $0x1;
	s29 =	sshrl.u32 s28, $0x2;
	s7 =	sadd.s32 s7, s9  }
0xc: {  	s10 =	sadd.s32 s10, s5;
	s11 =	ssub.s32 s6, s11;
	s13 =	sadd.s32 s29, s3  }
0xd: {  	s6 =	sor.u32 $0x1C02, s30;
	s7 =	sshrl.u32 s7, $0x3;
	s9 =	smax.u32 s11, $0x1  }
0xe: {  	s11 =	simm.s32 $0x2;
	s12 =	sadd.s32 s7, s5;
	s5 =	sadd.s32 $0x15200, s10  }
0xf: {  	s7 =	sadd.s32 s31, s8;
	s10 =	sshrl.u32 s13, $0x3;
	s13 =	simm.s32 $0x50  }
0x10: {  	s7 =	sadd.s32 $0x5200, s7;
	s8 =	sadd.s32 $0x3D200, s12;
	s12 =	simm.s32 $0x4000  }
.LBB2_1:
0x11: {  	[spmem:s10], [sflag:s6] =	dma.local [hbm:s5], $0x2800  }
0x12: {  	_ =	swait.ge [sflag:s11], $0x2800  }
0x13: {  	[sflag:s11] =	ssyncset.done $0x0  }
0x14: {  	[sflag:s11] =	ssyncadd.s32 $0xFFFFD800  }
0x15: {  	[tilespmem:s4], [sflag:$0x2] =	stream.linear.gather [hbm4b:s7+s4], $0x3E80, $0x38;
	[tilespmem:$0x1A800] =	vst v63  }
0x16: {  	_ =	swait.ge [sflag:s11], $0x3E80  }
0x17: {  	[sflag:s11] =	ssyncset.done $0x0  }
0x18: {  	[sflag:s11] =	ssyncadd.s32 $0xFFFFC180  }
0x19: {  	[tilespmem:s12], [sflag:$0x2] =	stream.linear.gather [hbm4b:s2+s4], $0x2800, $0x38;
	[tilespmem:$0x1A800] =	vst v63  }
0x1a: {  	_ =	swait.ge [sflag:s11], $0x2800  }
0x1b: {  	[sflag:s11] =	ssyncset.done $0x0  }
0x1c: {  	[sflag:s11] =	ssyncadd.s32 $0xFFFFD800  }
0x1d: {  	s16 =	simm.s32 $0x0;
	[bflag:$0x0] =	sbarrier.arrive $0xFFFF  }
.LBB2_2:
0x1e: {  	p0 =	sne.s32 s16, $0xF800  }
.Ltmp0:
0x1f: {  	_ = 	snop;
	(pc) =	sbr.rel @p0 .LBB2_2-.Ltmp0, $3  }
0x20: {  	_ =	sdelay $0x1  }
0x21: {  	s17 =	sshra.s32 s16, $0x2;
	s16 =	sadd.s32 $0x200, s16  }
0x22: {  	[spmem:s3] =	stream.indirect.scatter.add.f32 [tilespmem:s12], [sflag:$0x1], $0x80, s17, s13, $0xb8;
	[tilespmem:$0x1A800] =	vst v63  }
0x23: {  	_ =	swait.ge [sflag:s14], $0x2800  }
0x24: {  	s16 =	simm.s32 $0x7C;
	[sflag:s14] =	ssyncset.done $0x0  }
.LBB2_4:
0x25: {  	p0 =	sne.s32 s16, $0x1;
	s16 =	sadd.s32 $0xFFFFFFFF, s16;
	[sflag:s14] =	ssyncadd.s32 $0xFFFFD800  }
.Ltmp1:
0x26: {  	(pc) =	sbr.rel @p0 .LBB2_4-.Ltmp1, $3  }
0x27: {  	_ =	sdelay $0x1  }
0x28: {  	_ =	swait.ge [sflag:s14], $0x2800  }
0x29: {  	[sflag:s14] =	ssyncset.done $0x0  }
0x2a: {  	s15 =	sadd.s32 $0x1, s15  }
0x2b: {  	[sflag:s14] =	ssyncadd.s32 $0xFFFFD800;
	p0 =	sne.s32 s15, s9  }
.Ltmp2:
0x2c: {  	[bflag:$0x0] =	sbarrier.arrive $0xFFFF;
	(pc) =	sbr.rel @p0 .LBB2_1-.Ltmp2, $4  }
0x2d: {  	[hbm:s8], [sflag:s6] =	dma.local [spmem:s10], $0x2800  }
0x2e: {  	_ =	swait.ge [sflag:s11], $0x2800  }
0x2f: {  	[sflag:s11] =	ssyncset.done $0x0  }
0x30: {  	[sflag:s11] =	ssyncadd.s32 $0xFFFFD800  }
0x31: {  	_ =	sfence.sel $0x180000  }
0x32: {  	[bflag:$0x0] =	sbarrier.arrive $0xFFFF  }
0x33: {  	p0 =	sne.s32 s1, $0x0;
	_ =	strace $0x90000047  }
0x34: {  	s0 =	sadd.s32 @!p0 $0x100000, s0;
	[bflag:$0x2] =	sbarrier.arrive $0xFFFF  }
0x35: {  	[sflag:s0] =	ssyncadd.tile.s32 @!p0 $0x1;
	_ =	shalt  }
.Lfunc_end2:
_tile_overlayer_lowered:
.L_overlay_start_2:
0x36: {  	(tag) =	ssettag $0x2  }
0x37: {  	s0 =	rddreg [dreg:$0x0];
	s2 =	stileid.u32  }
0x38: {  	s1 =	rddreg [dreg:$0x1];
	p0 =	sne.s32 s2, $0x0  }
0x39: {  	s3 =	rddreg [dreg:$0x2];
	[bflag:$0x3] =	sbarrier.arrive $0xFFFF;
	s2 =	simm.s32 @!p0 $0x1C02  }
0x3a: {  	[timem:s3], [sflag:s2] =	dma.local @!p0 [hbm:s0], s1  }
0x3b: {  	s0 =	simm.s32 @!p0 $0x2  }
0x3c: {  	_ =	swait.ge @!p0 [sflag:s0], s1  }
0x3d: {  	s1 =	ssub.s32 @!p0 $0x0, s1;
	[sflag:s0] =	ssyncset.done @!p0 $0x0  }
0x3e: {  	[sflag:s0] =	ssyncadd.s32 @!p0 s1  }
0x3f: {  	[bflag:$0x3] =	sbarrier.arrive $0xFFFF  }
0x40: {  	_ =	shalt  }

// kernel: kernel.14.cloned.1.call-start
scs
__scs_entry_jumppad:
0x0: {  	(pc) =	sbr.rel $0x88, $3  }
0x1: {  	(tag) =	ssettag $0x0;
	lr =	simm.s32 $0x1  }
0x2: {  	[smem:$0x3F83] =	sst lr;
	_ =	strace $0xD0000000  }
0x3: {  	_ = 	snop  }
0x4: {  	_ = 	snop  }
0x5: {  	_ = 	snop  }
0x6: {  	_ = 	snop  }
0x7: {  	_ = 	snop  }
__scs_overlays_trampoline_lowered:
0x8: {  	[smem:$0x3F92] =	sst s0  }
0x9: {  	[smem:$0x3F93] =	sst s1  }
0xa: {  	[smem:$0x3F94] =	sst s2  }
0xb: {  	[smem:$0x3F95] =	sst s3  }
0xc: {  	[smem:$0x3F96] =	sst s4  }
0xd: {  	[smem:$0x3F97] =	sst s5  }
0xe: {  	[smem:$0x3F98] =	sst s6  }
0xf: {  	[smem:$0x3F99] =	sst s7  }
0x10: {  	[smem:$0x3F9A] =	sst s8  }
0x11: {  	[smem:$0x3F9B] =	sst s9;
	s0 =	simm.s32 @!p0 $0x0  }
0x12: {  	s1 =	sld [smem:$0x3F81];
	s0 =	simm.s32 @p0 $0x1  }
0x13: {  	[smem:$0x3F9C] =	sst s0;
	s0 =	simm.s32 @!p1 $0x0  }
0x14: {  	s2 =	sld [smem:$0x3F80];
	s0 =	simm.s32 @p1 $0x1  }
0x15: {  	[smem:$0x3F9D] =	sst s0;
	s0 =	simm.s32 @!p2 $0x0  }
0x16: {  	s3 =	sld [smem:$0x3FDB];
	s0 =	simm.s32 @p2 $0x1  }
0x17: {  	s4 =	simm.s32 $0x1BF5;
	[smem:$0x3F9F] =	sst s0  }
0x18: {  	s0 =	sld [smem:$0x3F82];
	_ =	swait.ge [sflag:s4], $0x0  }
0x19: {  	s7 =	sld [smem:$0x3F83]  }
0x1a: {  	s8 =	sadd.s32 $0xFFFFE003, lr  }
0x1b: {  	s9 =	sadd.s32 $0xFFFFFEF7, lr;
	s5 =	simm.s32 $0xFFFFFFFF;
	p2 =	slt.u32 s8, $0xFFFFF086  }
0x1c: {  	p1 =	slt.u32 s9, $0xF7A;
	s5 =	simm.s32 @!p2 $0x0  }
0x1d: {  	s5 =	simm.s32 @p1 $0x1;
	p0 =	seq.s32 s7, s2  }
0x1e: {  	s7 =	smul.u32 @!p0 $0xF7A, s2;
	p2 =	seq.s32 @!p0 s5, $0x0  }
0x1f: {  	s9 =	smul.u32 $0xF7A, s1;
	s8 =	simm.s32 @!p0 $0x1BF5;
	p2 =	por !p2, p0  }
0x20: {  	[sflag:s8] =	ssyncset.s32 @!p0 $0xFFFFF086;
	s6 =	sadd.s32 @!p0 s3, s7;
	s7 =	simm.s32 @!p0 $0x108  }
0x21: {  	s3 =	sadd.s32 s3, s9;
	s6 =	sadd.s32 @!p0 $0x88, s6;
	s7 =	simm.s32 @p2 $0x1082  }
0x22: {  	[simem:s7], [sflag:s8] =	dma.local @!p0 [hbm:s6], $0xF7A  }
0x23: {  	s9 =	sor.u32 $0xD0000000, s2;
	s6 =	simm.s32 $0x108;
	_ =	swait.ge @!p0 [sflag:s8], $0x0  }
0x24: {  	s3 =	sadd.s32 $0x88, s3;
	s6 =	simm.s32 @!p1 $0x1082;
	[sflag:s4] =	ssyncset.s32 $0xFFFFF086  }
0x25: {  	[simem:s6], [sflag:s4] =	dma.local [hbm:s3], $0xF7A  }
0x26: {  	[smem:$0x3F83] =	sst s1;
	(tag) =	ssettag s2;
	_ =	strace s9  }
0x27: {  	s1 =	sld [smem:$0x3F93]  }
0x28: {  	s2 =	sld [smem:$0x3F94]  }
0x29: {  	s4 =	sld [smem:$0x3F96]  }
0x2a: {  	p0 =	seq.s32 s5, $0x0;
	s5 =	sld [smem:$0x3F97]  }
0x2b: {  	s6 =	sld [smem:$0x3F98]  }
0x2c: {  	s7 =	sld [smem:$0x3F99]  }
0x2d: {  	s3 =	simm.s32 $0x108;
	s8 =	sld [smem:$0x3F9A]  }
0x2e: {  	s3 =	simm.s32 @!p0 $0x1082;
	s9 =	sld [smem:$0x3F9B]  }
0x2f: {  	lr =	sadd.s32 s0, s3;
	s0 =	sld [smem:$0x3F92]  }
0x30: {  	s3 =	sld [smem:$0x3F95]  }
0x31: {  	[smem:$0x3F9E] =	sst s10  }
0x32: {  	s10 =	sld [smem:$0x3F9C];
	_ =	sdelay $0x3  }
0x33: {  	p0 =	seq.s32 s10, $0x1;
	s10 =	sld [smem:$0x3F9E];
	_ =	sdelay $0x3  }
0x34: {  	[smem:$0x3F9E] =	sst s10  }
0x35: {  	s10 =	sld [smem:$0x3F9D];
	_ =	sdelay $0x3  }
0x36: {  	p1 =	seq.s32 s10, $0x1;
	s10 =	sld [smem:$0x3F9E];
	_ =	sdelay $0x3  }
0x37: {  	[smem:$0x3F9E] =	sst s10  }
0x38: {  	s10 =	sld [smem:$0x3F9F]  }
0x39: {  	_ = 	snop;
	(pc) =	sbr.ind lr, $3  }
0x3a: {  	_ = 	snop  }
0x3b: {  	_ = 	snop  }
0x3c: {  	p2 =	seq.s32 s10, $0x1;
	s10 =	sld [smem:$0x3F9E]  }
0x3d: {  	_ =	shalt  }
0x3e: {  	_ =	shalt  }
0x3f: {  	_ =	shalt  }
0x40: {  	_ =	shalt  }
0x41: {  	_ =	shalt  }
0x42: {  	_ =	shalt  }
0x43: {  	_ =	shalt  }
0x44: {  	_ =	shalt  }
0x45: {  	_ =	shalt  }
0x46: {  	_ =	shalt  }
0x47: {  	_ =	shalt  }
0x48: {  	_ =	shalt  }
0x49: {  	_ =	shalt  }
0x4a: {  	_ =	shalt  }
0x4b: {  	_ =	shalt  }
0x4c: {  	_ =	shalt  }
0x4d: {  	_ =	shalt  }
0x4e: {  	_ =	shalt  }
0x4f: {  	_ =	shalt  }
0x50: {  	_ =	shalt  }
0x51: {  	_ =	shalt  }
0x52: {  	_ =	shalt  }
0x53: {  	_ =	shalt  }
0x54: {  	_ =	shalt  }
0x55: {  	_ =	shalt  }
0x56: {  	_ =	shalt  }
0x57: {  	_ =	shalt  }
0x58: {  	_ =	shalt  }
0x59: {  	_ =	shalt  }
0x5a: {  	_ =	shalt  }
0x5b: {  	_ =	shalt  }
0x5c: {  	_ =	shalt  }
0x5d: {  	_ =	shalt  }
0x5e: {  	_ =	shalt  }
0x5f: {  	_ =	shalt  }
0x60: {  	_ =	shalt  }
0x61: {  	_ =	shalt  }
0x62: {  	_ =	shalt  }
0x63: {  	_ =	shalt  }
0x64: {  	_ =	shalt  }
0x65: {  	_ =	shalt  }
0x66: {  	_ =	shalt  }
0x67: {  	_ =	shalt  }
0x68: {  	_ =	shalt  }
0x69: {  	_ =	shalt  }
0x6a: {  	_ =	shalt  }
0x6b: {  	_ =	shalt  }
0x6c: {  	_ =	shalt  }
0x6d: {  	_ =	shalt  }
0x6e: {  	_ =	shalt  }
0x6f: {  	_ =	shalt  }
0x70: {  	_ =	shalt  }
0x71: {  	_ =	shalt  }
0x72: {  	_ =	shalt  }
0x73: {  	_ =	shalt  }
0x74: {  	_ =	shalt  }
0x75: {  	_ =	shalt  }
0x76: {  	_ =	shalt  }
0x77: {  	_ =	shalt  }
0x78: {  	_ =	shalt  }
0x79: {  	_ =	shalt  }
0x7a: {  	_ =	shalt  }
0x7b: {  	_ =	shalt  }
0x7c: {  	_ =	shalt  }
0x7d: {  	_ =	shalt  }
0x7e: {  	_ =	shalt  }
0x7f: {  	_ =	shalt  }
0x80: {  	_ =	shalt  }
0x81: {  	_ =	shalt  }
0x82: {  	_ =	shalt  }
0x83: {  	_ =	shalt  }
0x84: {  	_ =	shalt  }
0x85: {  	_ =	shalt  }
0x86: {  	_ =	shalt  }
0x87: {  	_ =	shalt  }
.Lfunc_end0:
.L_simem_size_0:
called_computation.1_lowered:
.L_overlay_start_0:
0x88: {  	s2 =	sld [smem:$0x3FD9]  }
0x89: {  	s3 =	sld [smem:$0x3FFE];
	_ =	sdelay $0x1  }
0x8a: {  	s1 =	srdreg.scid  }
0x8b: {  	s0 =	sand.u32 $0x1, s1  }
0x8c: {  	s16 =	sshll.u32 s0, $0xA;
	s2 =	sadd.s32 s3, s2  }
0x8d: {  	s2 =	sadd.s32 s2, s16  }
0x8e: {  	[smem:$0x3FAA] =	sst s2  }
0x8f: {  	_ = 	snop  }
0x90: {  	(tm) =	ssettm $0x1  }
0x91: {  	s17 =	sld [smem:$0x3FFB];
	_ =	sdelay $0x3  }
0x92: {  	_ =	strace s17  }
0x93: {  	s2 =	sld [smem:$0x3FFC];
	_ =	sdelay $0x3  }
0x94: {  	_ =	strace s2  }
0x95: {  	s2 =	sld [smem:$0x3FFD];
	_ =	sdelay $0x3  }
0x96: {  	_ =	strace s2  }
0x97: {  	_ =	strace $0x8FFFFFFF  }
0x98: {  	s18 =	sld [smem:$0x3FDB];
	_ =	sdelay $0x1  }
0x99: {  	s19 =	simm.s32 $_scs_section_size  }
0x9a: {  	s4 =	simm.s32 $_size__tile_overlayer_lowered;
	s5 =	simm.s32 $_tile_overlayer_lowered  }
0x9b: {  	s22 =	simm.s32 $0x1BFF;
	s21 =	sshll.u32 s5, $0x1;
	s2 =	sadd.s32 s19, s18  }
0x9c: {  	s6 =	simm.s32 $0x0;
	s20 =	sshll.u32 s4, $0x1;
	s4 =	sadd.s32 s21, s2  }
0x9d: {  	[timem:s6], [sflag:s22] =	dma.local [hbm:s4], s20  }
0x9e: {  	_ =	swait.ge [sflag:s22], s20  }
0x9f: {  	s3 =	ssub.s32 $0x0, s20;
	[sflag:s22] =	ssyncset.done $0x0  }
0xa0: {  	[sflag:s22] =	ssyncadd.s32 s3;
	_ =	sdelay $0x1  }
0xa1: {  	s23 =	simm.s32 $0x1B8B  }
0xa2: {  	_ =	swait.ge [sflag:s23], $0x1  }
0xa3: {  	[sflag:s23] =	ssyncset.done $0x0  }
0xa4: {  	s25 =	simm.s32 $0x1B8E;
	s24 =	sld [smem:$0x3FFE];
	[sflag:s23] =	ssyncadd.s32 $0xFFFFFFFF  }
0xa5: {  	s26 =	simm.s32 $execute0_lowered;
	[smem:$0x3FD2] =	sst s25  }
0xa6: {  	s4 =	sshll.u32 s26, $0x1;
	_ =	strace $0x80000049;
	[dreg:$0x1] =	wrdreg $0xFFFFFFFF  }
0xa7: {  	s28 =	simm.s32 $_size_execute0_lowered;
	s2 =	sadd.s32 s2, s4;
	[dreg:$0x0] =	wrdreg $0x0  }
0xa8: {  	s4 =	sshll.u32 s28, $0x1;
	[dreg:$0x2] =	wrdreg s2  }
0xa9: {  	[dreg:$0x3] =	wrdreg s4  }
0xaa: {  	[dreg:$0x4] =	wrdreg $0xC0  }
0xab: {  	_ =	task [dreg:s6], $0x5FFFF  }
0xac: {  	[dreg:$0x1] =	wrdreg $0xFFFFFFFF  }
0xad: {  	[dreg:$0x0] =	wrdreg $0x60  }
0xae: {  	[dreg:$0x2] =	wrdreg s24  }
0xaf: {  	[dreg:$0x3] =	wrdreg $0xA8000  }
0xb0: {  	[dreg:$0x4] =	wrdreg $0x9  }
0xb1: {  	_ =	task.clear_ibuf [dreg:s6], $0x5FFFF;
	_ =	strace $0x90000049  }
0xb2: {  	s29 =	simm.s32 $0x9;
	_ =	strace $0x8000004B  }
0xb3: {  	_ =	swait.ge [sflag:s29], $0x1  }
0xb4: {  	[sflag:s29] =	ssyncadd.s32 $0xFFFFFFFF  }
0xb5: {  	_ =	strace $0x9000004B  }
0xb6: {  	_ =	sfence  }
0xb7: {  	s30 =	sld [smem:$0x0];
	_ =	sdelay $0x2  }
0xb8: {  	s31 =	sshll.u32 s1, $0xD;
	s1 =	sshrl.u32 s1, $0x2  }
0xb9: {  	s3 =	sand.u32 $0x4000, s31;
	s1 =	sadd.s32 s1, s30  }
0xba: {  	s0 =	sor.u32 s3, s0;
	s1 =	sshll.u32 s1, $0x11  }
0xbb: {  	s0 =	sor.u32 s1, s0  }
0xbc: {  	s0 =	sadd.s32 $0x8F2B, s0  }
0xbd: {  	[sflag:s0] =	ssyncadd.remote.s32 $0x1  }
0xbe: {  	_ =	sfence.sel $0xFFFF  }
0xbf: {  	[dreg:$0x0] =	wrdreg $0xFFFFFFFF;
	(pc) =	sbr.abs _section_cstart, $3  }
0xc0: {  	[dreg:$0x1] =	wrdreg $0xFFFFFFFF  }
0xc1: {  	_ =	task.clear_ibuf [dreg:s6], $0x2FFFF;
	_ =	strace $0x9FFFFFFF  }
0xc2: {  	(tm) =	ssettm $0x7FFFFFFF  }
0xc3: {  	_ =	shalt  }
tec
execute0_lowered:
.L_overlay_start_1:
0x0: {  	(tag) =	ssettag $0x1  }
0x1: {  	s5 =	rddreg [dreg:$0x0]  }
0x2: {  	s1 =	rddreg [dreg:$0x1]  }
0x3: {  	s0 =	rddreg [dreg:$0x2];
	s3 =	simm.s32 $0x0;
	s4 =	srdreg.scid  }
0x4: {  	s2 =	stileid.u32;
	s14 =	simm.s32 $0x50;
	s15 =	simm.s32 $0x8000  }
0x5: {  	s16 =	simm.s32 $0x1;
	s17 =	simm.s32 $0x0;
	[smem:$0x7FF] =	sst s3  }
0x6: {  	s6 =	sand.u32 $0x1, s4;
	s26 =	sshll.u32 s2, $0xC;
	s8 =	smul.u32 $0x14000, s2  }
0x7: {  	s4 =	sadd.s32 $0x3D200, s5;
	s29 =	smul.u32 $0x50000, s2;
	s31 =	sshll.u32 s2, $0x6  }
0x8: {  	s7 =	sshll.u32 s6, $0xB;
	_ =	strace $0x8000004A;
	s9 =	smul.u32 $0x140000, s6  }
0x9: {  	s6 =	ssub.s32 $0x2, s6;
	s7 =	sor.u32 s7, s26;
	s28 =	sshrl.u32 s8, $0x3  }
0xa: {  	s11 =	sshrl.u32 s6, $0x1;
	s30 =	sshrl.u32 s29, $0x2;
	s10 =	sadd.s32 s7, s5  }
0xb: {  	s8 =	sadd.s32 s8, s9;
	s7 =	sadd.s32 s28, s5;
	s11 =	ssub.s32 s6, s11  }
0xc: {  	s13 =	sadd.s32 s30, s1;
	s6 =	sor.u32 $0x1C02, s31;
	s8 =	sshrl.u32 s8, $0x3  }
0xd: {  	s12 =	sadd.s32 s8, s5;
	s5 =	sadd.s32 $0x15200, s7;
	s7 =	sadd.s32 $0x8D200, s10  }
0xe: {  	s8 =	sadd.s32 $0x5200, s10;
	s10 =	smax.u32 s11, $0x1;
	s11 =	sshrl.u32 s13, $0x3  }
0xf: {  	s13 =	simm.s32 $0x4000;
	s9 =	sadd.s32 $0xC4400, s12;
	s12 =	simm.s32 $0x2  }
.LBB2_1:
0x10: {  	[spmem:s11], [sflag:s6] =	dma.local [hbm:s5], $0x2800  }
0x11: {  	_ =	swait.ge [sflag:s12], $0x2800  }
0x12: {  	[sflag:s12] =	ssyncset.done $0x0  }
0x13: {  	[sflag:s12] =	ssyncadd.s32 $0xFFFFD800  }
0x14: {  	[tilespmem:s3], [sflag:$0x2] =	stream.linear.gather [hbm4b:s7+s3], $0x3E80, $0x38;
	[tilespmem:$0x1E800] =	vst v63  }
0x15: {  	_ =	swait.ge [sflag:s12], $0x3E80  }
0x16: {  	[sflag:s12] =	ssyncset.done $0x0  }
0x17: {  	[sflag:s12] =	ssyncadd.s32 $0xFFFFC180  }
0x18: {  	[tilespmem:s13], [sflag:$0x2] =	stream.linear.gather [hbm4b:s8+s3], $0x3E80, $0x38;
	[tilespmem:$0x1E800] =	vst v63  }
0x19: {  	_ =	swait.ge [sflag:s12], $0x3E80  }
0x1a: {  	[sflag:s12] =	ssyncset.done $0x0  }
0x1b: {  	[sflag:s12] =	ssyncadd.s32 $0xFFFFC180  }
0x1c: {  	s18 =	simm.s32 $0x0;
	[bflag:$0x0] =	sbarrier.arrive $0xFFFF  }
0x1d: {  	[tilespmem:s15], [sflag:$0x1] =	stream.indirect.gather [hbm4b:s4+s14], $0x80, s18, s14, $0xb8;
	[tilespmem:$0x1E800] =	vst v63  }
0x1e: {  	_ =	swait.ge [sflag:s16], $0x2800  }
0x1f: {  	[sflag:s16] =	ssyncset.done $0x0  }
0x20: {  	s31 =	simm.s32 $0x4000;
	[sflag:s16] =	ssyncadd.s32 $0xFFFFD800  }
0x21: {  	[spmem:s1] =	stream.indirect.scatter.add.f32 [tilespmem:s15], [sflag:$0x2], $0x80, s31, s14, $0xb8;
	[tilespmem:$0x1E800] =	vst v63  }
0x22: {  	_ =	swait.ge [sflag:s12], $0x2800  }
0x23: {  	s19 =	simm.s32 $0x400;
	s18 =	simm.s32 $0x200;
	[sflag:s12] =	ssyncset.done $0x0  }
.LBB2_2:
0x24: {  	s20 =	sshra.s32 s18, $0x2  }
0x25: {  	[sflag:s12] =	ssyncadd.s32 $0xFFFFD800;
	s18 =	smov.u32 s19;
	s21 =	sadd.s32 $0x200, s19  }
0x26: {  	[tilespmem:s15], [sflag:$0x1] =	stream.indirect.gather [hbm4b:s4+s14], $0x80, s20, s14, $0xb8;
	[tilespmem:$0x1E800] =	vst v63  }
0x27: {  	p0 =	sne.s32 s19, $0xF800;
	_ =	swait.ge [sflag:s16], $0x2800  }
.Ltmp0:
0x28: {  	[sflag:s16] =	ssyncset.done $0x0;
	(pc) =	sbr.rel @p0 .LBB2_2-.Ltmp0, $4  }
0x29: {  	s19 =	sadd.s32 $0x4000, s20;
	[sflag:s16] =	ssyncadd.s32 $0xFFFFD800  }
0x2a: {  	[spmem:s1] =	stream.indirect.scatter.add.f32 [tilespmem:s15], [sflag:$0x2], $0x80, s19, s14, $0xb8;
	[tilespmem:$0x1E800] =	vst v63  }
0x2b: {  	_ =	swait.ge [sflag:s12], $0x2800  }
0x2c: {  	s19 =	smov.u32 s21;
	[sflag:s12] =	ssyncset.done $0x0  }
0x2d: {  	s18 =	sshra.s32 s18, $0x2;
	[sflag:s12] =	ssyncadd.s32 $0xFFFFD800  }
0x2e: {  	[tilespmem:s15], [sflag:$0x1] =	stream.indirect.gather [hbm4b:s4+s14], $0x80, s18, s14, $0xb8;
	[tilespmem:$0x1E800] =	vst v63  }
0x2f: {  	_ =	swait.ge [sflag:s16], $0x2800  }
0x30: {  	[sflag:s16] =	ssyncset.done $0x0  }
0x31: {  	s18 =	sadd.s32 $0x4000, s18;
	[sflag:s16] =	ssyncadd.s32 $0xFFFFD800  }
0x32: {  	[spmem:s1] =	stream.indirect.scatter.add.f32 [tilespmem:s15], [sflag:$0x2], $0x80, s18, s14, $0xb8;
	[tilespmem:$0x1E800] =	vst v63  }
0x33: {  	_ =	swait.ge [sflag:s12], $0x2800  }
0x34: {  	s17 =	sadd.s32 $0x1, s17;
	[sflag:s12] =	ssyncset.done $0x0  }
0x35: {  	p0 =	sne.s32 s17, s10;
	[sflag:s12] =	ssyncadd.s32 $0xFFFFD800  }
.Ltmp1:
0x36: {  	[bflag:$0x0] =	sbarrier.arrive $0xFFFF;
	(pc) =	sbr.rel @p0 .LBB2_1-.Ltmp1, $4  }
0x37: {  	[hbm:s9], [sflag:s6] =	dma.local [spmem:s11], $0x2800  }
0x38: {  	_ =	swait.ge [sflag:s12], $0x2800  }
0x39: {  	[sflag:s12] =	ssyncset.done $0x0  }
0x3a: {  	[sflag:s12] =	ssyncadd.s32 $0xFFFFD800  }
0x3b: {  	_ =	sfence.sel $0x180000  }
0x3c: {  	[bflag:$0x0] =	sbarrier.arrive $0xFFFF  }
0x3d: {  	p0 =	sne.s32 s2, $0x0;
	_ =	strace $0x9000004A  }
0x3e: {  	s0 =	sadd.s32 @!p0 $0x100000, s0;
	[bflag:$0x2] =	sbarrier.arrive $0xFFFF  }
0x3f: {  	[sflag:s0] =	ssyncadd.tile.s32 @!p0 $0x1;
	_ =	shalt  }
.Lfunc_end2:
_tile_overlayer_lowered:
.L_overlay_start_2:
0x40: {  	(tag) =	ssettag $0x2  }
0x41: {  	s0 =	rddreg [dreg:$0x0];
	s2 =	stileid.u32  }
0x42: {  	s1 =	rddreg [dreg:$0x1];
	p0 =	sne.s32 s2, $0x0  }
0x43: {  	s3 =	rddreg [dreg:$0x2];
	[bflag:$0x3] =	sbarrier.arrive $0xFFFF;
	s2 =	simm.s32 @!p0 $0x1C02  }
0x44: {  	[timem:s3], [sflag:s2] =	dma.local @!p0 [hbm:s0], s1  }
0x45: {  	s0 =	simm.s32 @!p0 $0x2  }
0x46: {  	_ =	swait.ge @!p0 [sflag:s0], s1  }
0x47: {  	s1 =	ssub.s32 @!p0 $0x0, s1;
	[sflag:s0] =	ssyncset.done @!p0 $0x0  }
0x48: {  	[sflag:s0] =	ssyncadd.s32 @!p0 s1  }
0x49: {  	[bflag:$0x3] =	sbarrier.arrive $0xFFFF  }
0x4a: {  	_ =	shalt  }

// kernel: kernel.17.cloned.1.call-start
scs
__scs_entry_jumppad:
0x0: {  	(pc) =	sbr.rel $0x88, $3  }
0x1: {  	(tag) =	ssettag $0x0;
	lr =	simm.s32 $0x1  }
0x2: {  	[smem:$0x3F83] =	sst lr;
	_ =	strace $0xD0000000  }
0x3: {  	_ = 	snop  }
0x4: {  	_ = 	snop  }
0x5: {  	_ = 	snop  }
0x6: {  	_ = 	snop  }
0x7: {  	_ = 	snop  }
__scs_overlays_trampoline_lowered:
0x8: {  	[smem:$0x3F92] =	sst s0  }
0x9: {  	[smem:$0x3F93] =	sst s1  }
0xa: {  	[smem:$0x3F94] =	sst s2  }
0xb: {  	[smem:$0x3F95] =	sst s3  }
0xc: {  	[smem:$0x3F96] =	sst s4  }
0xd: {  	[smem:$0x3F97] =	sst s5  }
0xe: {  	[smem:$0x3F98] =	sst s6  }
0xf: {  	[smem:$0x3F99] =	sst s7  }
0x10: {  	[smem:$0x3F9A] =	sst s8  }
0x11: {  	[smem:$0x3F9B] =	sst s9;
	s0 =	simm.s32 @!p0 $0x0  }
0x12: {  	s1 =	sld [smem:$0x3F81];
	s0 =	simm.s32 @p0 $0x1  }
0x13: {  	[smem:$0x3F9C] =	sst s0;
	s0 =	simm.s32 @!p1 $0x0  }
0x14: {  	s2 =	sld [smem:$0x3F80];
	s0 =	simm.s32 @p1 $0x1  }
0x15: {  	[smem:$0x3F9D] =	sst s0;
	s0 =	simm.s32 @!p2 $0x0  }
0x16: {  	s3 =	sld [smem:$0x3FDB];
	s0 =	simm.s32 @p2 $0x1  }
0x17: {  	s4 =	simm.s32 $0x1BF5;
	[smem:$0x3F9F] =	sst s0  }
0x18: {  	s0 =	sld [smem:$0x3F82];
	_ =	swait.ge [sflag:s4], $0x0  }
0x19: {  	s7 =	sld [smem:$0x3F83]  }
0x1a: {  	s8 =	sadd.s32 $0xFFFFE003, lr  }
0x1b: {  	s9 =	sadd.s32 $0xFFFFFEF7, lr;
	s5 =	simm.s32 $0xFFFFFFFF;
	p2 =	slt.u32 s8, $0xFFFFF086  }
0x1c: {  	p1 =	slt.u32 s9, $0xF7A;
	s5 =	simm.s32 @!p2 $0x0  }
0x1d: {  	s5 =	simm.s32 @p1 $0x1;
	p0 =	seq.s32 s7, s2  }
0x1e: {  	s7 =	smul.u32 @!p0 $0xF7A, s2;
	p2 =	seq.s32 @!p0 s5, $0x0  }
0x1f: {  	s9 =	smul.u32 $0xF7A, s1;
	s8 =	simm.s32 @!p0 $0x1BF5;
	p2 =	por !p2, p0  }
0x20: {  	[sflag:s8] =	ssyncset.s32 @!p0 $0xFFFFF086;
	s6 =	sadd.s32 @!p0 s3, s7;
	s7 =	simm.s32 @!p0 $0x108  }
0x21: {  	s3 =	sadd.s32 s3, s9;
	s6 =	sadd.s32 @!p0 $0x88, s6;
	s7 =	simm.s32 @p2 $0x1082  }
0x22: {  	[simem:s7], [sflag:s8] =	dma.local @!p0 [hbm:s6], $0xF7A  }
0x23: {  	s9 =	sor.u32 $0xD0000000, s2;
	s6 =	simm.s32 $0x108;
	_ =	swait.ge @!p0 [sflag:s8], $0x0  }
0x24: {  	s3 =	sadd.s32 $0x88, s3;
	s6 =	simm.s32 @!p1 $0x1082;
	[sflag:s4] =	ssyncset.s32 $0xFFFFF086  }
0x25: {  	[simem:s6], [sflag:s4] =	dma.local [hbm:s3], $0xF7A  }
0x26: {  	[smem:$0x3F83] =	sst s1;
	(tag) =	ssettag s2;
	_ =	strace s9  }
0x27: {  	s1 =	sld [smem:$0x3F93]  }
0x28: {  	s2 =	sld [smem:$0x3F94]  }
0x29: {  	s4 =	sld [smem:$0x3F96]  }
0x2a: {  	p0 =	seq.s32 s5, $0x0;
	s5 =	sld [smem:$0x3F97]  }
0x2b: {  	s6 =	sld [smem:$0x3F98]  }
0x2c: {  	s7 =	sld [smem:$0x3F99]  }
0x2d: {  	s3 =	simm.s32 $0x108;
	s8 =	sld [smem:$0x3F9A]  }
0x2e: {  	s3 =	simm.s32 @!p0 $0x1082;
	s9 =	sld [smem:$0x3F9B]  }
0x2f: {  	lr =	sadd.s32 s0, s3;
	s0 =	sld [smem:$0x3F92]  }
0x30: {  	s3 =	sld [smem:$0x3F95]  }
0x31: {  	[smem:$0x3F9E] =	sst s10  }
0x32: {  	s10 =	sld [smem:$0x3F9C];
	_ =	sdelay $0x3  }
0x33: {  	p0 =	seq.s32 s10, $0x1;
	s10 =	sld [smem:$0x3F9E];
	_ =	sdelay $0x3  }
0x34: {  	[smem:$0x3F9E] =	sst s10  }
0x35: {  	s10 =	sld [smem:$0x3F9D];
	_ =	sdelay $0x3  }
0x36: {  	p1 =	seq.s32 s10, $0x1;
	s10 =	sld [smem:$0x3F9E];
	_ =	sdelay $0x3  }
0x37: {  	[smem:$0x3F9E] =	sst s10  }
0x38: {  	s10 =	sld [smem:$0x3F9F]  }
0x39: {  	_ = 	snop;
	(pc) =	sbr.ind lr, $3  }
0x3a: {  	_ = 	snop  }
0x3b: {  	_ = 	snop  }
0x3c: {  	p2 =	seq.s32 s10, $0x1;
	s10 =	sld [smem:$0x3F9E]  }
0x3d: {  	_ =	shalt  }
0x3e: {  	_ =	shalt  }
0x3f: {  	_ =	shalt  }
0x40: {  	_ =	shalt  }
0x41: {  	_ =	shalt  }
0x42: {  	_ =	shalt  }
0x43: {  	_ =	shalt  }
0x44: {  	_ =	shalt  }
0x45: {  	_ =	shalt  }
0x46: {  	_ =	shalt  }
0x47: {  	_ =	shalt  }
0x48: {  	_ =	shalt  }
0x49: {  	_ =	shalt  }
0x4a: {  	_ =	shalt  }
0x4b: {  	_ =	shalt  }
0x4c: {  	_ =	shalt  }
0x4d: {  	_ =	shalt  }
0x4e: {  	_ =	shalt  }
0x4f: {  	_ =	shalt  }
0x50: {  	_ =	shalt  }
0x51: {  	_ =	shalt  }
0x52: {  	_ =	shalt  }
0x53: {  	_ =	shalt  }
0x54: {  	_ =	shalt  }
0x55: {  	_ =	shalt  }
0x56: {  	_ =	shalt  }
0x57: {  	_ =	shalt  }
0x58: {  	_ =	shalt  }
0x59: {  	_ =	shalt  }
0x5a: {  	_ =	shalt  }
0x5b: {  	_ =	shalt  }
0x5c: {  	_ =	shalt  }
0x5d: {  	_ =	shalt  }
0x5e: {  	_ =	shalt  }
0x5f: {  	_ =	shalt  }
0x60: {  	_ =	shalt  }
0x61: {  	_ =	shalt  }
0x62: {  	_ =	shalt  }
0x63: {  	_ =	shalt  }
0x64: {  	_ =	shalt  }
0x65: {  	_ =	shalt  }
0x66: {  	_ =	shalt  }
0x67: {  	_ =	shalt  }
0x68: {  	_ =	shalt  }
0x69: {  	_ =	shalt  }
0x6a: {  	_ =	shalt  }
0x6b: {  	_ =	shalt  }
0x6c: {  	_ =	shalt  }
0x6d: {  	_ =	shalt  }
0x6e: {  	_ =	shalt  }
0x6f: {  	_ =	shalt  }
0x70: {  	_ =	shalt  }
0x71: {  	_ =	shalt  }
0x72: {  	_ =	shalt  }
0x73: {  	_ =	shalt  }
0x74: {  	_ =	shalt  }
0x75: {  	_ =	shalt  }
0x76: {  	_ =	shalt  }
0x77: {  	_ =	shalt  }
0x78: {  	_ =	shalt  }
0x79: {  	_ =	shalt  }
0x7a: {  	_ =	shalt  }
0x7b: {  	_ =	shalt  }
0x7c: {  	_ =	shalt  }
0x7d: {  	_ =	shalt  }
0x7e: {  	_ =	shalt  }
0x7f: {  	_ =	shalt  }
0x80: {  	_ =	shalt  }
0x81: {  	_ =	shalt  }
0x82: {  	_ =	shalt  }
0x83: {  	_ =	shalt  }
0x84: {  	_ =	shalt  }
0x85: {  	_ =	shalt  }
0x86: {  	_ =	shalt  }
0x87: {  	_ =	shalt  }
.Lfunc_end0:
.L_simem_size_0:
called_computation.2_lowered:
.L_overlay_start_0:
0x88: {  	s2 =	sld [smem:$0x3FD9]  }
0x89: {  	s3 =	sld [smem:$0x3FFE];
	_ =	sdelay $0x1  }
0x8a: {  	s1 =	srdreg.scid  }
0x8b: {  	s0 =	sand.u32 $0x1, s1  }
0x8c: {  	s16 =	sshll.u32 s0, $0xA;
	s2 =	sadd.s32 s3, s2  }
0x8d: {  	s2 =	sadd.s32 s2, s16  }
0x8e: {  	[smem:$0x3FAA] =	sst s2  }
0x8f: {  	_ = 	snop  }
0x90: {  	(tm) =	ssettm $0x1  }
0x91: {  	s17 =	sld [smem:$0x3FFB];
	_ =	sdelay $0x3  }
0x92: {  	_ =	strace s17  }
0x93: {  	s2 =	sld [smem:$0x3FFC];
	_ =	sdelay $0x3  }
0x94: {  	_ =	strace s2  }
0x95: {  	s2 =	sld [smem:$0x3FFD];
	_ =	sdelay $0x3  }
0x96: {  	_ =	strace s2  }
0x97: {  	_ =	strace $0x8FFFFFFF  }
0x98: {  	s18 =	sld [smem:$0x3FDB];
	_ =	sdelay $0x1  }
0x99: {  	s19 =	simm.s32 $_scs_section_size  }
0x9a: {  	s4 =	simm.s32 $_size__tile_overlayer_lowered;
	s5 =	simm.s32 $_tile_overlayer_lowered  }
0x9b: {  	s22 =	simm.s32 $0x1BFF;
	s21 =	sshll.u32 s5, $0x1;
	s2 =	sadd.s32 s19, s18  }
0x9c: {  	s6 =	simm.s32 $0x0;
	s20 =	sshll.u32 s4, $0x1;
	s4 =	sadd.s32 s21, s2  }
0x9d: {  	[timem:s6], [sflag:s22] =	dma.local [hbm:s4], s20  }
0x9e: {  	_ =	swait.ge [sflag:s22], s20  }
0x9f: {  	s3 =	ssub.s32 $0x0, s20;
	[sflag:s22] =	ssyncset.done $0x0  }
0xa0: {  	[sflag:s22] =	ssyncadd.s32 s3;
	_ =	sdelay $0x1  }
0xa1: {  	s23 =	simm.s32 $0x1B8B  }
0xa2: {  	_ =	swait.ge [sflag:s23], $0x1  }
0xa3: {  	[sflag:s23] =	ssyncset.done $0x0  }
0xa4: {  	s25 =	simm.s32 $0x1B8E;
	s24 =	sld [smem:$0x3FFE];
	[sflag:s23] =	ssyncadd.s32 $0xFFFFFFFF  }
0xa5: {  	s26 =	simm.s32 $execute0_lowered;
	[smem:$0x3FD2] =	sst s25  }
0xa6: {  	s4 =	sshll.u32 s26, $0x1;
	_ =	strace $0x8000004C;
	[dreg:$0x1] =	wrdreg $0xFFFFFFFF  }
0xa7: {  	s28 =	simm.s32 $_size_execute0_lowered;
	s2 =	sadd.s32 s2, s4;
	[dreg:$0x0] =	wrdreg $0x0  }
0xa8: {  	s4 =	sshll.u32 s28, $0x1;
	[dreg:$0x2] =	wrdreg s2  }
0xa9: {  	[dreg:$0x3] =	wrdreg s4  }
0xaa: {  	[dreg:$0x4] =	wrdreg $0xC0  }
0xab: {  	_ =	task [dreg:s6], $0x5FFFF  }
0xac: {  	[dreg:$0x1] =	wrdreg $0xFFFFFFFF  }
0xad: {  	[dreg:$0x0] =	wrdreg $0x60  }
0xae: {  	[dreg:$0x2] =	wrdreg s24  }
0xaf: {  	[dreg:$0x3] =	wrdreg $0xA8000  }
0xb0: {  	[dreg:$0x4] =	wrdreg $0x9  }
0xb1: {  	_ =	task.clear_ibuf [dreg:s6], $0x5FFFF;
	_ =	strace $0x9000004C  }
0xb2: {  	s29 =	simm.s32 $0x9;
	_ =	strace $0x8000004E  }
0xb3: {  	_ =	swait.ge [sflag:s29], $0x1  }
0xb4: {  	[sflag:s29] =	ssyncadd.s32 $0xFFFFFFFF  }
0xb5: {  	_ =	strace $0x9000004E  }
0xb6: {  	_ =	sfence  }
0xb7: {  	s30 =	sld [smem:$0x0];
	_ =	sdelay $0x2  }
0xb8: {  	s31 =	sshll.u32 s1, $0xD;
	s1 =	sshrl.u32 s1, $0x2  }
0xb9: {  	s3 =	sand.u32 $0x4000, s31;
	s1 =	sadd.s32 s1, s30  }
0xba: {  	s0 =	sor.u32 s3, s0;
	s1 =	sshll.u32 s1, $0x11  }
0xbb: {  	s0 =	sor.u32 s1, s0  }
0xbc: {  	s0 =	sadd.s32 $0x8F2B, s0  }
0xbd: {  	[sflag:s0] =	ssyncadd.remote.s32 $0x1  }
0xbe: {  	_ =	sfence.sel $0xFFFF  }
0xbf: {  	[dreg:$0x0] =	wrdreg $0xFFFFFFFF;
	(pc) =	sbr.abs _section_cstart, $3  }
0xc0: {  	[dreg:$0x1] =	wrdreg $0xFFFFFFFF  }
0xc1: {  	_ =	task.clear_ibuf [dreg:s6], $0x2FFFF;
	_ =	strace $0x9FFFFFFF  }
0xc2: {  	(tm) =	ssettm $0x7FFFFFFF  }
0xc3: {  	_ =	shalt  }
tec
execute0_lowered:
.L_overlay_start_1:
0x0: {  	(tag) =	ssettag $0x1  }
0x1: {  	s5 =	rddreg [dreg:$0x0]  }
0x2: {  	s1 =	rddreg [dreg:$0x1]  }
0x3: {  	s0 =	rddreg [dreg:$0x2];
	s3 =	simm.s32 $0x0;
	s4 =	srdreg.scid  }
0x4: {  	s2 =	stileid.u32;
	s14 =	simm.s32 $0x50;
	s15 =	simm.s32 $0x8000  }
0x5: {  	s16 =	simm.s32 $0x1;
	s17 =	simm.s32 $0x0;
	[smem:$0x7FF] =	sst s3  }
0x6: {  	s6 =	sand.u32 $0x1, s4;
	s26 =	sshll.u32 s2, $0xC;
	s8 =	smul.u32 $0x14000, s2  }
0x7: {  	s4 =	sadd.s32 $0x3D200, s5;
	s29 =	smul.u32 $0x50000, s2;
	s31 =	sshll.u32 s2, $0x6  }
0x8: {  	s7 =	sshll.u32 s6, $0xB;
	_ =	strace $0x8000004D;
	s9 =	smul.u32 $0x140000, s6  }
0x9: {  	s6 =	ssub.s32 $0x2, s6;
	s7 =	sor.u32 s7, s26;
	s28 =	sshrl.u32 s8, $0x3  }
0xa: {  	s11 =	sshrl.u32 s6, $0x1;
	s30 =	sshrl.u32 s29, $0x2;
	s10 =	sadd.s32 s7, s5  }
0xb: {  	s8 =	sadd.s32 s8, s9;
	s7 =	sadd.s32 s28, s5;
	s11 =	ssub.s32 s6, s11  }
0xc: {  	s13 =	sadd.s32 s30, s1;
	s6 =	sor.u32 $0x1C02, s31;
	s8 =	sshrl.u32 s8, $0x3  }
0xd: {  	s12 =	sadd.s32 s8, s5;
	s5 =	sadd.s32 $0x15200, s7;
	s7 =	sadd.s32 $0x8D200, s10  }
0xe: {  	s8 =	sadd.s32 $0x5200, s10;
	s10 =	smax.u32 s11, $0x1;
	s11 =	sshrl.u32 s13, $0x3  }
0xf: {  	s13 =	simm.s32 $0x4000;
	s9 =	sadd.s32 $0xC4400, s12;
	s12 =	simm.s32 $0x2  }
.LBB2_1:
0x10: {  	[spmem:s11], [sflag:s6] =	dma.local [hbm:s5], $0x2800  }
0x11: {  	_ =	swait.ge [sflag:s12], $0x2800  }
0x12: {  	[sflag:s12] =	ssyncset.done $0x0  }
0x13: {  	[sflag:s12] =	ssyncadd.s32 $0xFFFFD800  }
0x14: {  	[tilespmem:s3], [sflag:$0x2] =	stream.linear.gather [hbm4b:s7+s3], $0x3E80, $0x38;
	[tilespmem:$0x1E800] =	vst v63  }
0x15: {  	_ =	swait.ge [sflag:s12], $0x3E80  }
0x16: {  	[sflag:s12] =	ssyncset.done $0x0  }
0x17: {  	[sflag:s12] =	ssyncadd.s32 $0xFFFFC180  }
0x18: {  	[tilespmem:s13], [sflag:$0x2] =	stream.linear.gather [hbm4b:s8+s3], $0x3E80, $0x38;
	[tilespmem:$0x1E800] =	vst v63  }
0x19: {  	_ =	swait.ge [sflag:s12], $0x3E80  }
0x1a: {  	[sflag:s12] =	ssyncset.done $0x0  }
0x1b: {  	[sflag:s12] =	ssyncadd.s32 $0xFFFFC180  }
0x1c: {  	s18 =	simm.s32 $0x0;
	[bflag:$0x0] =	sbarrier.arrive $0xFFFF  }
0x1d: {  	[tilespmem:s15], [sflag:$0x1] =	stream.indirect.gather [hbm4b:s4+s14], $0x80, s18, s14, $0xb8;
	[tilespmem:$0x1E800] =	vst v63  }
0x1e: {  	_ =	swait.ge [sflag:s16], $0x2800  }
0x1f: {  	[sflag:s16] =	ssyncset.done $0x0  }
0x20: {  	s31 =	simm.s32 $0x4000;
	[sflag:s16] =	ssyncadd.s32 $0xFFFFD800  }
0x21: {  	[spmem:s1] =	stream.indirect.scatter.add.f32 [tilespmem:s15], [sflag:$0x2], $0x80, s31, s14, $0xb8;
	[tilespmem:$0x1E800] =	vst v63  }
0x22: {  	_ =	swait.ge [sflag:s12], $0x2800  }
0x23: {  	s19 =	simm.s32 $0x400;
	s18 =	simm.s32 $0x200;
	[sflag:s12] =	ssyncset.done $0x0  }
.LBB2_2:
0x24: {  	s20 =	sshra.s32 s18, $0x2  }
0x25: {  	[sflag:s12] =	ssyncadd.s32 $0xFFFFD800;
	s18 =	smov.u32 s19;
	s21 =	sadd.s32 $0x200, s19  }
0x26: {  	[tilespmem:s15], [sflag:$0x1] =	stream.indirect.gather [hbm4b:s4+s14], $0x80, s20, s14, $0xb8;
	[tilespmem:$0x1E800] =	vst v63  }
0x27: {  	p0 =	sne.s32 s19, $0xF800;
	_ =	swait.ge [sflag:s16], $0x2800  }
.Ltmp0:
0x28: {  	[sflag:s16] =	ssyncset.done $0x0;
	(pc) =	sbr.rel @p0 .LBB2_2-.Ltmp0, $4  }
0x29: {  	s19 =	sadd.s32 $0x4000, s20;
	[sflag:s16] =	ssyncadd.s32 $0xFFFFD800  }
0x2a: {  	[spmem:s1] =	stream.indirect.scatter.add.f32 [tilespmem:s15], [sflag:$0x2], $0x80, s19, s14, $0xb8;
	[tilespmem:$0x1E800] =	vst v63  }
0x2b: {  	_ =	swait.ge [sflag:s12], $0x2800  }
0x2c: {  	s19 =	smov.u32 s21;
	[sflag:s12] =	ssyncset.done $0x0  }
0x2d: {  	s18 =	sshra.s32 s18, $0x2;
	[sflag:s12] =	ssyncadd.s32 $0xFFFFD800  }
0x2e: {  	[tilespmem:s15], [sflag:$0x1] =	stream.indirect.gather [hbm4b:s4+s14], $0x80, s18, s14, $0xb8;
	[tilespmem:$0x1E800] =	vst v63  }
0x2f: {  	_ =	swait.ge [sflag:s16], $0x2800  }
0x30: {  	[sflag:s16] =	ssyncset.done $0x0  }
0x31: {  	s18 =	sadd.s32 $0x4000, s18;
	[sflag:s16] =	ssyncadd.s32 $0xFFFFD800  }
0x32: {  	[spmem:s1] =	stream.indirect.scatter.add.f32 [tilespmem:s15], [sflag:$0x2], $0x80, s18, s14, $0xb8;
	[tilespmem:$0x1E800] =	vst v63  }
0x33: {  	_ =	swait.ge [sflag:s12], $0x2800  }
0x34: {  	s17 =	sadd.s32 $0x1, s17;
	[sflag:s12] =	ssyncset.done $0x0  }
0x35: {  	p0 =	sne.s32 s17, s10;
	[sflag:s12] =	ssyncadd.s32 $0xFFFFD800  }
.Ltmp1:
0x36: {  	[bflag:$0x0] =	sbarrier.arrive $0xFFFF;
	(pc) =	sbr.rel @p0 .LBB2_1-.Ltmp1, $4  }
0x37: {  	[hbm:s9], [sflag:s6] =	dma.local [spmem:s11], $0x2800  }
0x38: {  	_ =	swait.ge [sflag:s12], $0x2800  }
0x39: {  	[sflag:s12] =	ssyncset.done $0x0  }
0x3a: {  	[sflag:s12] =	ssyncadd.s32 $0xFFFFD800  }
0x3b: {  	_ =	sfence.sel $0x180000  }
0x3c: {  	[bflag:$0x0] =	sbarrier.arrive $0xFFFF  }
0x3d: {  	p0 =	sne.s32 s2, $0x0;
	_ =	strace $0x9000004D  }
0x3e: {  	s0 =	sadd.s32 @!p0 $0x100000, s0;
	[bflag:$0x2] =	sbarrier.arrive $0xFFFF  }
0x3f: {  	[sflag:s0] =	ssyncadd.tile.s32 @!p0 $0x1;
	_ =	shalt  }
.Lfunc_end2:
_tile_overlayer_lowered:
.L_overlay_start_2:
0x40: {  	(tag) =	ssettag $0x2  }
0x41: {  	s0 =	rddreg [dreg:$0x0];
	s2 =	stileid.u32  }
0x42: {  	s1 =	rddreg [dreg:$0x1];
	p0 =	sne.s32 s2, $0x0  }
0x43: {  	s3 =	rddreg [dreg:$0x2];
	[bflag:$0x3] =	sbarrier.arrive $0xFFFF;
	s2 =	simm.s32 @!p0 $0x1C02  }
0x44: {  	[timem:s3], [sflag:s2] =	dma.local @!p0 [hbm:s0], s1  }
0x45: {  	s0 =	simm.s32 @!p0 $0x2  }
0x46: {  	_ =	swait.ge @!p0 [sflag:s0], s1  }
0x47: {  	s1 =	ssub.s32 @!p0 $0x0, s1;
	[sflag:s0] =	ssyncset.done @!p0 $0x0  }
0x48: {  	[sflag:s0] =	ssyncadd.s32 @!p0 s1  }
0x49: {  	[bflag:$0x3] =	sbarrier.arrive $0xFFFF  }
0x4a: {  	_ =	shalt  }

// kernel: kernel.20.cloned.1.call-start
scs
__scs_entry_jumppad:
0x0: {  	(pc) =	sbr.rel $0x88, $3  }
0x1: {  	(tag) =	ssettag $0x0;
	lr =	simm.s32 $0x1  }
0x2: {  	[smem:$0x3F83] =	sst lr;
	_ =	strace $0xD0000000  }
0x3: {  	_ = 	snop  }
0x4: {  	_ = 	snop  }
0x5: {  	_ = 	snop  }
0x6: {  	_ = 	snop  }
0x7: {  	_ = 	snop  }
__scs_overlays_trampoline_lowered:
0x8: {  	[smem:$0x3F92] =	sst s0  }
0x9: {  	[smem:$0x3F93] =	sst s1  }
0xa: {  	[smem:$0x3F94] =	sst s2  }
0xb: {  	[smem:$0x3F95] =	sst s3  }
0xc: {  	[smem:$0x3F96] =	sst s4  }
0xd: {  	[smem:$0x3F97] =	sst s5  }
0xe: {  	[smem:$0x3F98] =	sst s6  }
0xf: {  	[smem:$0x3F99] =	sst s7  }
0x10: {  	[smem:$0x3F9A] =	sst s8  }
0x11: {  	[smem:$0x3F9B] =	sst s9;
	s0 =	simm.s32 @!p0 $0x0  }
0x12: {  	s1 =	sld [smem:$0x3F81];
	s0 =	simm.s32 @p0 $0x1  }
0x13: {  	[smem:$0x3F9C] =	sst s0;
	s0 =	simm.s32 @!p1 $0x0  }
0x14: {  	s2 =	sld [smem:$0x3F80];
	s0 =	simm.s32 @p1 $0x1  }
0x15: {  	[smem:$0x3F9D] =	sst s0;
	s0 =	simm.s32 @!p2 $0x0  }
0x16: {  	s3 =	sld [smem:$0x3FDB];
	s0 =	simm.s32 @p2 $0x1  }
0x17: {  	s4 =	simm.s32 $0x1BF5;
	[smem:$0x3F9F] =	sst s0  }
0x18: {  	s0 =	sld [smem:$0x3F82];
	_ =	swait.ge [sflag:s4], $0x0  }
0x19: {  	s7 =	sld [smem:$0x3F83]  }
0x1a: {  	s8 =	sadd.s32 $0xFFFFE003, lr  }
0x1b: {  	s9 =	sadd.s32 $0xFFFFFEF7, lr;
	s5 =	simm.s32 $0xFFFFFFFF;
	p2 =	slt.u32 s8, $0xFFFFF086  }
0x1c: {  	p1 =	slt.u32 s9, $0xF7A;
	s5 =	simm.s32 @!p2 $0x0  }
0x1d: {  	s5 =	simm.s32 @p1 $0x1;
	p0 =	seq.s32 s7, s2  }
0x1e: {  	s7 =	smul.u32 @!p0 $0xF7A, s2;
	p2 =	seq.s32 @!p0 s5, $0x0  }
0x1f: {  	s9 =	smul.u32 $0xF7A, s1;
	s8 =	simm.s32 @!p0 $0x1BF5;
	p2 =	por !p2, p0  }
0x20: {  	[sflag:s8] =	ssyncset.s32 @!p0 $0xFFFFF086;
	s6 =	sadd.s32 @!p0 s3, s7;
	s7 =	simm.s32 @!p0 $0x108  }
0x21: {  	s3 =	sadd.s32 s3, s9;
	s6 =	sadd.s32 @!p0 $0x88, s6;
	s7 =	simm.s32 @p2 $0x1082  }
0x22: {  	[simem:s7], [sflag:s8] =	dma.local @!p0 [hbm:s6], $0xF7A  }
0x23: {  	s9 =	sor.u32 $0xD0000000, s2;
	s6 =	simm.s32 $0x108;
	_ =	swait.ge @!p0 [sflag:s8], $0x0  }
0x24: {  	s3 =	sadd.s32 $0x88, s3;
	s6 =	simm.s32 @!p1 $0x1082;
	[sflag:s4] =	ssyncset.s32 $0xFFFFF086  }
0x25: {  	[simem:s6], [sflag:s4] =	dma.local [hbm:s3], $0xF7A  }
0x26: {  	[smem:$0x3F83] =	sst s1;
	(tag) =	ssettag s2;
	_ =	strace s9  }
0x27: {  	s1 =	sld [smem:$0x3F93]  }
0x28: {  	s2 =	sld [smem:$0x3F94]  }
0x29: {  	s4 =	sld [smem:$0x3F96]  }
0x2a: {  	p0 =	seq.s32 s5, $0x0;
	s5 =	sld [smem:$0x3F97]  }
0x2b: {  	s6 =	sld [smem:$0x3F98]  }
0x2c: {  	s7 =	sld [smem:$0x3F99]  }
0x2d: {  	s3 =	simm.s32 $0x108;
	s8 =	sld [smem:$0x3F9A]  }
0x2e: {  	s3 =	simm.s32 @!p0 $0x1082;
	s9 =	sld [smem:$0x3F9B]  }
0x2f: {  	lr =	sadd.s32 s0, s3;
	s0 =	sld [smem:$0x3F92]  }
0x30: {  	s3 =	sld [smem:$0x3F95]  }
0x31: {  	[smem:$0x3F9E] =	sst s10  }
0x32: {  	s10 =	sld [smem:$0x3F9C];
	_ =	sdelay $0x3  }
0x33: {  	p0 =	seq.s32 s10, $0x1;
	s10 =	sld [smem:$0x3F9E];
	_ =	sdelay $0x3  }
0x34: {  	[smem:$0x3F9E] =	sst s10  }
0x35: {  	s10 =	sld [smem:$0x3F9D];
	_ =	sdelay $0x3  }
0x36: {  	p1 =	seq.s32 s10, $0x1;
	s10 =	sld [smem:$0x3F9E];
	_ =	sdelay $0x3  }
0x37: {  	[smem:$0x3F9E] =	sst s10  }
0x38: {  	s10 =	sld [smem:$0x3F9F]  }
0x39: {  	_ = 	snop;
	(pc) =	sbr.ind lr, $3  }
0x3a: {  	_ = 	snop  }
0x3b: {  	_ = 	snop  }
0x3c: {  	p2 =	seq.s32 s10, $0x1;
	s10 =	sld [smem:$0x3F9E]  }
0x3d: {  	_ =	shalt  }
0x3e: {  	_ =	shalt  }
0x3f: {  	_ =	shalt  }
0x40: {  	_ =	shalt  }
0x41: {  	_ =	shalt  }
0x42: {  	_ =	shalt  }
0x43: {  	_ =	shalt  }
0x44: {  	_ =	shalt  }
0x45: {  	_ =	shalt  }
0x46: {  	_ =	shalt  }
0x47: {  	_ =	shalt  }
0x48: {  	_ =	shalt  }
0x49: {  	_ =	shalt  }
0x4a: {  	_ =	shalt  }
0x4b: {  	_ =	shalt  }
0x4c: {  	_ =	shalt  }
0x4d: {  	_ =	shalt  }
0x4e: {  	_ =	shalt  }
0x4f: {  	_ =	shalt  }
0x50: {  	_ =	shalt  }
0x51: {  	_ =	shalt  }
0x52: {  	_ =	shalt  }
0x53: {  	_ =	shalt  }
0x54: {  	_ =	shalt  }
0x55: {  	_ =	shalt  }
0x56: {  	_ =	shalt  }
0x57: {  	_ =	shalt  }
0x58: {  	_ =	shalt  }
0x59: {  	_ =	shalt  }
0x5a: {  	_ =	shalt  }
0x5b: {  	_ =	shalt  }
0x5c: {  	_ =	shalt  }
0x5d: {  	_ =	shalt  }
0x5e: {  	_ =	shalt  }
0x5f: {  	_ =	shalt  }
0x60: {  	_ =	shalt  }
0x61: {  	_ =	shalt  }
0x62: {  	_ =	shalt  }
0x63: {  	_ =	shalt  }
0x64: {  	_ =	shalt  }
0x65: {  	_ =	shalt  }
0x66: {  	_ =	shalt  }
0x67: {  	_ =	shalt  }
0x68: {  	_ =	shalt  }
0x69: {  	_ =	shalt  }
0x6a: {  	_ =	shalt  }
0x6b: {  	_ =	shalt  }
0x6c: {  	_ =	shalt  }
0x6d: {  	_ =	shalt  }
0x6e: {  	_ =	shalt  }
0x6f: {  	_ =	shalt  }
0x70: {  	_ =	shalt  }
0x71: {  	_ =	shalt  }
0x72: {  	_ =	shalt  }
0x73: {  	_ =	shalt  }
0x74: {  	_ =	shalt  }
0x75: {  	_ =	shalt  }
0x76: {  	_ =	shalt  }
0x77: {  	_ =	shalt  }
0x78: {  	_ =	shalt  }
0x79: {  	_ =	shalt  }
0x7a: {  	_ =	shalt  }
0x7b: {  	_ =	shalt  }
0x7c: {  	_ =	shalt  }
0x7d: {  	_ =	shalt  }
0x7e: {  	_ =	shalt  }
0x7f: {  	_ =	shalt  }
0x80: {  	_ =	shalt  }
0x81: {  	_ =	shalt  }
0x82: {  	_ =	shalt  }
0x83: {  	_ =	shalt  }
0x84: {  	_ =	shalt  }
0x85: {  	_ =	shalt  }
0x86: {  	_ =	shalt  }
0x87: {  	_ =	shalt  }
.Lfunc_end0:
.L_simem_size_0:
called_computation.3_lowered:
.L_overlay_start_0:
0x88: {  	s2 =	sld [smem:$0x3FD9]  }
0x89: {  	s3 =	sld [smem:$0x3FFE];
	_ =	sdelay $0x1  }
0x8a: {  	s1 =	srdreg.scid  }
0x8b: {  	s0 =	sand.u32 $0x1, s1  }
0x8c: {  	s16 =	sshll.u32 s0, $0xA;
	s2 =	sadd.s32 s3, s2  }
0x8d: {  	s2 =	sadd.s32 s2, s16  }
0x8e: {  	[smem:$0x3FAA] =	sst s2  }
0x8f: {  	_ = 	snop  }
0x90: {  	(tm) =	ssettm $0x1  }
0x91: {  	s17 =	sld [smem:$0x3FFB];
	_ =	sdelay $0x3  }
0x92: {  	_ =	strace s17  }
0x93: {  	s2 =	sld [smem:$0x3FFC];
	_ =	sdelay $0x3  }
0x94: {  	_ =	strace s2  }
0x95: {  	s2 =	sld [smem:$0x3FFD];
	_ =	sdelay $0x3  }
0x96: {  	_ =	strace s2  }
0x97: {  	_ =	strace $0x8FFFFFFF  }
0x98: {  	s18 =	sld [smem:$0x3FDB];
	_ =	sdelay $0x1  }
0x99: {  	s19 =	simm.s32 $_scs_section_size  }
0x9a: {  	s4 =	simm.s32 $_size__tile_overlayer_lowered;
	s5 =	simm.s32 $_tile_overlayer_lowered  }
0x9b: {  	s22 =	simm.s32 $0x1BFF;
	s21 =	sshll.u32 s5, $0x1;
	s2 =	sadd.s32 s19, s18  }
0x9c: {  	s6 =	simm.s32 $0x0;
	s20 =	sshll.u32 s4, $0x1;
	s4 =	sadd.s32 s21, s2  }
0x9d: {  	[timem:s6], [sflag:s22] =	dma.local [hbm:s4], s20  }
0x9e: {  	_ =	swait.ge [sflag:s22], s20  }
0x9f: {  	s3 =	ssub.s32 $0x0, s20;
	[sflag:s22] =	ssyncset.done $0x0  }
0xa0: {  	[sflag:s22] =	ssyncadd.s32 s3;
	_ =	sdelay $0x1  }
0xa1: {  	s23 =	simm.s32 $0x1B8B  }
0xa2: {  	_ =	swait.ge [sflag:s23], $0x1  }
0xa3: {  	[sflag:s23] =	ssyncset.done $0x0  }
0xa4: {  	s25 =	simm.s32 $0x1B8E;
	s24 =	sld [smem:$0x3FFE];
	[sflag:s23] =	ssyncadd.s32 $0xFFFFFFFF  }
0xa5: {  	s26 =	simm.s32 $execute0_lowered;
	[smem:$0x3FD2] =	sst s25  }
0xa6: {  	s4 =	sshll.u32 s26, $0x1;
	_ =	strace $0x8000004F;
	[dreg:$0x1] =	wrdreg $0xFFFFFFFF  }
0xa7: {  	s28 =	simm.s32 $_size_execute0_lowered;
	s2 =	sadd.s32 s2, s4;
	[dreg:$0x0] =	wrdreg $0x0  }
0xa8: {  	s4 =	sshll.u32 s28, $0x1;
	[dreg:$0x2] =	wrdreg s2  }
0xa9: {  	[dreg:$0x3] =	wrdreg s4  }
0xaa: {  	[dreg:$0x4] =	wrdreg $0xC0  }
0xab: {  	_ =	task [dreg:s6], $0x5FFFF  }
0xac: {  	[dreg:$0x1] =	wrdreg $0xFFFFFFFF  }
0xad: {  	[dreg:$0x0] =	wrdreg $0x60  }
0xae: {  	[dreg:$0x2] =	wrdreg s24  }
0xaf: {  	[dreg:$0x3] =	wrdreg $0xA8000  }
0xb0: {  	[dreg:$0x4] =	wrdreg $0x9  }
0xb1: {  	_ =	task.clear_ibuf [dreg:s6], $0x5FFFF;
	_ =	strace $0x9000004F  }
0xb2: {  	s29 =	simm.s32 $0x9;
	_ =	strace $0x80000051  }
0xb3: {  	_ =	swait.ge [sflag:s29], $0x1  }
0xb4: {  	[sflag:s29] =	ssyncadd.s32 $0xFFFFFFFF  }
0xb5: {  	_ =	strace $0x90000051  }
0xb6: {  	_ =	sfence  }
0xb7: {  	s30 =	sld [smem:$0x0];
	_ =	sdelay $0x2  }
0xb8: {  	s31 =	sshll.u32 s1, $0xD;
	s1 =	sshrl.u32 s1, $0x2  }
0xb9: {  	s3 =	sand.u32 $0x4000, s31;
	s1 =	sadd.s32 s1, s30  }
0xba: {  	s0 =	sor.u32 s3, s0;
	s1 =	sshll.u32 s1, $0x11  }
0xbb: {  	s0 =	sor.u32 s1, s0  }
0xbc: {  	s0 =	sadd.s32 $0x8F2B, s0  }
0xbd: {  	[sflag:s0] =	ssyncadd.remote.s32 $0x1  }
0xbe: {  	_ =	sfence.sel $0xFFFF  }
0xbf: {  	[dreg:$0x0] =	wrdreg $0xFFFFFFFF;
	(pc) =	sbr.abs _section_cstart, $3  }
0xc0: {  	[dreg:$0x1] =	wrdreg $0xFFFFFFFF  }
0xc1: {  	_ =	task.clear_ibuf [dreg:s6], $0x2FFFF;
	_ =	strace $0x9FFFFFFF  }
0xc2: {  	(tm) =	ssettm $0x7FFFFFFF  }
0xc3: {  	_ =	shalt  }
tec
execute0_lowered:
.L_overlay_start_1:
0x0: {  	(tag) =	ssettag $0x1  }
0x1: {  	s5 =	rddreg [dreg:$0x0]  }
0x2: {  	s1 =	rddreg [dreg:$0x1]  }
0x3: {  	s0 =	rddreg [dreg:$0x2];
	s3 =	simm.s32 $0x0;
	s4 =	srdreg.scid  }
0x4: {  	s2 =	stileid.u32;
	s14 =	simm.s32 $0x50;
	s15 =	simm.s32 $0x8000  }
0x5: {  	s16 =	simm.s32 $0x1;
	s17 =	simm.s32 $0x0;
	[smem:$0x7FF] =	sst s3  }
0x6: {  	s6 =	sand.u32 $0x1, s4;
	s26 =	sshll.u32 s2, $0xC;
	s8 =	smul.u32 $0x14000, s2  }
0x7: {  	s4 =	sadd.s32 $0x3D200, s5;
	s29 =	smul.u32 $0x50000, s2;
	s31 =	sshll.u32 s2, $0x6  }
0x8: {  	s7 =	sshll.u32 s6, $0xB;
	_ =	strace $0x80000050;
	s9 =	smul.u32 $0x140000, s6  }
0x9: {  	s6 =	ssub.s32 $0x2, s6;
	s7 =	sor.u32 s7, s26;
	s28 =	sshrl.u32 s8, $0x3  }
0xa: {  	s11 =	sshrl.u32 s6, $0x1;
	s30 =	sshrl.u32 s29, $0x2;
	s10 =	sadd.s32 s7, s5  }
0xb: {  	s8 =	sadd.s32 s8, s9;
	s7 =	sadd.s32 s28, s5;
	s11 =	ssub.s32 s6, s11  }
0xc: {  	s13 =	sadd.s32 s30, s1;
	s6 =	sor.u32 $0x1C02, s31;
	s8 =	sshrl.u32 s8, $0x3  }
0xd: {  	s12 =	sadd.s32 s8, s5;
	s5 =	sadd.s32 $0x15200, s7;
	s7 =	sadd.s32 $0x8D200, s10  }
0xe: {  	s8 =	sadd.s32 $0x5200, s10;
	s10 =	smax.u32 s11, $0x1;
	s11 =	sshrl.u32 s13, $0x3  }
0xf: {  	s13 =	simm.s32 $0x4000;
	s9 =	sadd.s32 $0x9D200, s12;
	s12 =	simm.s32 $0x2  }
.LBB2_1:
0x10: {  	[spmem:s11], [sflag:s6] =	dma.local [hbm:s5], $0x2800  }
0x11: {  	_ =	swait.ge [sflag:s12], $0x2800  }
0x12: {  	[sflag:s12] =	ssyncset.done $0x0  }
0x13: {  	[sflag:s12] =	ssyncadd.s32 $0xFFFFD800  }
0x14: {  	[tilespmem:s3], [sflag:$0x2] =	stream.linear.gather [hbm4b:s7+s3], $0x3E80, $0x38;
	[tilespmem:$0x1E800] =	vst v63  }
0x15: {  	_ =	swait.ge [sflag:s12], $0x3E80  }
0x16: {  	[sflag:s12] =	ssyncset.done $0x0  }
0x17: {  	[sflag:s12] =	ssyncadd.s32 $0xFFFFC180  }
0x18: {  	[tilespmem:s13], [sflag:$0x2] =	stream.linear.gather [hbm4b:s8+s3], $0x3E80, $0x38;
	[tilespmem:$0x1E800] =	vst v63  }
0x19: {  	_ =	swait.ge [sflag:s12], $0x3E80  }
0x1a: {  	[sflag:s12] =	ssyncset.done $0x0  }
0x1b: {  	[sflag:s12] =	ssyncadd.s32 $0xFFFFC180  }
0x1c: {  	s18 =	simm.s32 $0x0;
	[bflag:$0x0] =	sbarrier.arrive $0xFFFF  }
0x1d: {  	[tilespmem:s15], [sflag:$0x1] =	stream.indirect.gather [hbm4b:s4+s14], $0x80, s18, s14, $0xb8;
	[tilespmem:$0x1E800] =	vst v63  }
0x1e: {  	_ =	swait.ge [sflag:s16], $0x2800  }
0x1f: {  	[sflag:s16] =	ssyncset.done $0x0  }
0x20: {  	s31 =	simm.s32 $0x4000;
	[sflag:s16] =	ssyncadd.s32 $0xFFFFD800  }
0x21: {  	[spmem:s1] =	stream.indirect.scatter.add.f32 [tilespmem:s15], [sflag:$0x2], $0x80, s31, s14, $0xb8;
	[tilespmem:$0x1E800] =	vst v63  }
0x22: {  	_ =	swait.ge [sflag:s12], $0x2800  }
0x23: {  	s19 =	simm.s32 $0x400;
	s18 =	simm.s32 $0x200;
	[sflag:s12] =	ssyncset.done $0x0  }
.LBB2_2:
0x24: {  	s20 =	sshra.s32 s18, $0x2  }
0x25: {  	[sflag:s12] =	ssyncadd.s32 $0xFFFFD800;
	s18 =	smov.u32 s19;
	s21 =	sadd.s32 $0x200, s19  }
0x26: {  	[tilespmem:s15], [sflag:$0x1] =	stream.indirect.gather [hbm4b:s4+s14], $0x80, s20, s14, $0xb8;
	[tilespmem:$0x1E800] =	vst v63  }
0x27: {  	p0 =	sne.s32 s19, $0xF800;
	_ =	swait.ge [sflag:s16], $0x2800  }
.Ltmp0:
0x28: {  	[sflag:s16] =	ssyncset.done $0x0;
	(pc) =	sbr.rel @p0 .LBB2_2-.Ltmp0, $4  }
0x29: {  	s19 =	sadd.s32 $0x4000, s20;
	[sflag:s16] =	ssyncadd.s32 $0xFFFFD800  }
0x2a: {  	[spmem:s1] =	stream.indirect.scatter.add.f32 [tilespmem:s15], [sflag:$0x2], $0x80, s19, s14, $0xb8;
	[tilespmem:$0x1E800] =	vst v63  }
0x2b: {  	_ =	swait.ge [sflag:s12], $0x2800  }
0x2c: {  	s19 =	smov.u32 s21;
	[sflag:s12] =	ssyncset.done $0x0  }
0x2d: {  	s18 =	sshra.s32 s18, $0x2;
	[sflag:s12] =	ssyncadd.s32 $0xFFFFD800  }
0x2e: {  	[tilespmem:s15], [sflag:$0x1] =	stream.indirect.gather [hbm4b:s4+s14], $0x80, s18, s14, $0xb8;
	[tilespmem:$0x1E800] =	vst v63  }
0x2f: {  	_ =	swait.ge [sflag:s16], $0x2800  }
0x30: {  	[sflag:s16] =	ssyncset.done $0x0  }
0x31: {  	s18 =	sadd.s32 $0x4000, s18;
	[sflag:s16] =	ssyncadd.s32 $0xFFFFD800  }
0x32: {  	[spmem:s1] =	stream.indirect.scatter.add.f32 [tilespmem:s15], [sflag:$0x2], $0x80, s18, s14, $0xb8;
	[tilespmem:$0x1E800] =	vst v63  }
0x33: {  	_ =	swait.ge [sflag:s12], $0x2800  }
0x34: {  	s17 =	sadd.s32 $0x1, s17;
	[sflag:s12] =	ssyncset.done $0x0  }
0x35: {  	p0 =	sne.s32 s17, s10;
	[sflag:s12] =	ssyncadd.s32 $0xFFFFD800  }
.Ltmp1:
0x36: {  	[bflag:$0x0] =	sbarrier.arrive $0xFFFF;
	(pc) =	sbr.rel @p0 .LBB2_1-.Ltmp1, $4  }
0x37: {  	[hbm:s9], [sflag:s6] =	dma.local [spmem:s11], $0x2800  }
0x38: {  	_ =	swait.ge [sflag:s12], $0x2800  }
0x39: {  	[sflag:s12] =	ssyncset.done $0x0  }
0x3a: {  	[sflag:s12] =	ssyncadd.s32 $0xFFFFD800  }
0x3b: {  	_ =	sfence.sel $0x180000  }
0x3c: {  	[bflag:$0x0] =	sbarrier.arrive $0xFFFF  }
0x3d: {  	p0 =	sne.s32 s2, $0x0;
	_ =	strace $0x90000050  }
0x3e: {  	s0 =	sadd.s32 @!p0 $0x100000, s0;
	[bflag:$0x2] =	sbarrier.arrive $0xFFFF  }
0x3f: {  	[sflag:s0] =	ssyncadd.tile.s32 @!p0 $0x1;
	_ =	shalt  }
.Lfunc_end2:
_tile_overlayer_lowered:
.L_overlay_start_2:
0x40: {  	(tag) =	ssettag $0x2  }
0x41: {  	s0 =	rddreg [dreg:$0x0];
	s2 =	stileid.u32  }
0x42: {  	s1 =	rddreg [dreg:$0x1];
	p0 =	sne.s32 s2, $0x0  }
0x43: {  	s3 =	rddreg [dreg:$0x2];
	[bflag:$0x3] =	sbarrier.arrive $0xFFFF;
	s2 =	simm.s32 @!p0 $0x1C02  }
0x44: {  	[timem:s3], [sflag:s2] =	dma.local @!p0 [hbm:s0], s1  }
0x45: {  	s0 =	simm.s32 @!p0 $0x2  }
0x46: {  	_ =	swait.ge @!p0 [sflag:s0], s1  }
0x47: {  	s1 =	ssub.s32 @!p0 $0x0, s1;
	[sflag:s0] =	ssyncset.done @!p0 $0x0  }
0x48: {  	[sflag:s0] =	ssyncadd.s32 @!p0 s1  }
0x49: {  	[bflag:$0x3] =	sbarrier.arrive $0xFFFF  }
0x4a: {  	_ =	shalt  }

</sc_bundles>
